<compile_context>
chip_gen: v7x
topology: tpu7x:2x2x1
jax: 0.10.2.dev20260603
libtpu: 0.0.44.dev20260713+nightly
codegen_flags: <defaults>
</compile_context>

<pallas_src>
import functools

import jax
import jax.numpy as jnp
from jax import lax
from jax.experimental import pallas as pl
from jax.experimental.pallas import tpu as pltpu
from jax.experimental.pallas import tpu_sc as plsc

N_NODES = 10000
N_EDGES = 160000
D_IN = 256
D_OUT = 256
DH = D_IN // 2

NC = 2
NS = 16
CH = 80
G = 5
NG = N_EDGES // (G * CH * NS)
T = NG * G
R = 4
AHEAD = 2
NPT = 632
LAST_START = N_NODES - NPT


def _sc_aggregate(x, e4, zrows):
    mesh = plsc.VectorSubcoreMesh(core_axis_name="c", subcore_axis_name="s")

    @functools.partial(
        pl.kernel,
        out_type=jax.ShapeDtypeStruct((NC, N_NODES, DH), jnp.float32),
        mesh=mesh,
        scratch_types=[
            pltpu.VMEM_SHARED((N_NODES, DH), jnp.float32),
            pltpu.VMEM((3, 2, G, CH), jnp.int32),
            pltpu.VMEM((R, CH, DH), jnp.float32),
            pltpu.SemaphoreType.DMA,
            pltpu.SemaphoreType.DMA,
            pltpu.SemaphoreType.DMA,
        ],
    )
    def body(x_hbm, e_hbm, z_hbm, out_hbm, acc, ibuf, rows, sem_g, sem_s,
             sem_i):
        c = lax.axis_index("c")
        s = lax.axis_index("s")

        def gather(j):
            return pltpu.make_async_copy(
                x_hbm.at[ibuf.at[(j // G) % 3, 0, j % G], pl.ds(c * DH, DH)],
                rows.at[j % R], sem_g)

        def scatter(j):
            return pltpu.make_async_copy(
                rows.at[j % R],
                acc.at[ibuf.at[(j // G) % 3, 1, j % G]], sem_s)

        def stage(g):
            return pltpu.make_async_copy(e_hbm.at[s * NG + g], ibuf.at[g % 3],
                                         sem_i)

        stage(0).start()
        stage(0).wait()
        stage(1).start()
        for j0 in range(AHEAD):
            gather(j0).start()
        start = pl.multiple_of(jnp.minimum(s * NPT, LAST_START), 8)
        pltpu.sync_copy(z_hbm, acc.at[pl.ds(start, NPT)])
        plsc.subcore_barrier()

        def step(j, _):
            @pl.when(j >= AHEAD)
            def _():
                scatter(j - AHEAD).wait()

            @pl.when(j + AHEAD < T)
            def _():
                jn = j + AHEAD

                @pl.when(jn % G == 0)
                def _():
                    g2 = jn // G
                    stage(g2).wait()

                    @pl.when(g2 + 1 < NG)
                    def _():
                        stage(g2 + 1).start()
                gather(jn).start()

            gather(j).wait()
            pltpu.async_copy(rows.at[j % R],
                             acc.at[ibuf.at[(j // G) % 3, 1, j % G]],
                             sem_s, add=True)
            return 0

        lax.fori_loop(0, T, step, 0, unroll=False)
        for j0 in range(T - AHEAD, T):
            scatter(j0).wait()
        plsc.subcore_barrier()

        pltpu.sync_copy(
            acc.at[pl.ds(start, NPT)],
            out_hbm.at[c].at[pl.ds(start, NPT)],
        )

    return body(x, e4, zrows)


def _tc_linear(agg2, W, b2):
    BN = 2000
    dn = (((1,), (1,)), ((), ()))

    def mm(a_ref, w_ref, b_ref, o_ref):
        acc = lax.dot_general(a_ref[0], w_ref[:, :DH], dn,
                              preferred_element_type=jnp.float32)
        acc = acc + lax.dot_general(a_ref[1], w_ref[:, DH:], dn,
                                    preferred_element_type=jnp.float32)
        o_ref[...] = acc + b_ref[...]

    return pl.pallas_call(
        mm,
        grid=(N_NODES // BN,),
        in_specs=[
            pl.BlockSpec((2, BN, DH), lambda i: (0, i, 0)),
            pl.BlockSpec((D_OUT, D_IN), lambda i: (0, 0)),
            pl.BlockSpec((1, D_OUT), lambda i: (0, 0)),
        ],
        out_specs=pl.BlockSpec((BN, D_OUT), lambda i: (i, 0)),
        out_shape=jax.ShapeDtypeStruct((N_NODES, D_OUT), jnp.float32),
    )(agg2, W, b2)


def kernel(x, edge_index, W, b):
    e4 = (edge_index.astype(jnp.int32)
          .reshape(2, NS * NG, G, CH).transpose(1, 0, 2, 3))
    zrows = jnp.zeros((NPT, DH), jnp.float32)
    b2 = b.reshape(1, D_OUT)
    agg2 = _sc_aggregate(x, e4, zrows)
    return _tc_linear(agg2, W, b2)

# --- scband reference (transcript-rebuilt; emitter-appended) ---
"""Pipeline reference for scband-gcnlayer-4398046511152 (READ-ONLY COPY).

The authoritative reference and input builder live on the scoring server;
editing this copy changes nothing except your own understanding.
"""

import jax, jax.numpy as jnp
import numpy as np

N_NODES = 10000
N_EDGES = 160000
D_IN = 256
D_OUT = 256

def setup_inputs(seed: int = 0) -> dict:
    key = jax.random.key(seed)
    k1, k2, k3, k4 = jax.random.split(key, 4)
    x = jax.random.normal(k1, (N_NODES, D_IN), dtype=jnp.float32)
    edge_index = jax.random.randint(k2, (2, N_EDGES), 0, N_NODES, dtype=jnp.int64)
    # nn.Linear(in_feats, out_feats): weight [out, in], bias [out]
    bound = 1.0 / np.sqrt(D_IN)
    W = jax.random.uniform(k3, (D_OUT, D_IN), dtype=jnp.float32, minval=-bound, maxval=bound)
    b = jax.random.uniform(k4, (D_OUT,), dtype=jnp.float32, minval=-bound, maxval=bound)
    return {"x": x, "edge_index": edge_index, "W": W, "b": b}

def reference(x, edge_index, W, b):
    # GCN message passing (weights=False):
    #   msg = h[src]; h'[dst] = sum of incoming msgs; out = Linear(h')
    src = edge_index[0]
    dst = edge_index[1]
    msgs = jnp.take(x, src, axis=0)                      # gather: [E, D_IN]
    agg = jnp.zeros((N_NODES, D_IN), dtype=x.dtype).at[dst].add(msgs)  # scatter-add
    out = agg @ W.T + b                                   # Linear
    return out

if __name__ == "__main__":
    import jax
    _d = setup_inputs()
    print(jax.jit(kernel)(*tuple(_d.values())))

</pallas_src>

<mosaic_0001>
#map = affine_map<(d0, d1) -> (0, 0)>
#map1 = affine_map<(d0, d1) -> (0, 0, 0, 0)>
#map2 = affine_map<(d0, d1) -> (0, 0, 0)>
module attributes {stable_mosaic.version = 14 : i64} {
  func.func @body(%arg0: i32, %arg1: i32, %arg2: memref<10000x256xf32, #tpu.memory_space<hbm>>, %arg3: memref<400x2x5x80xi32, #tpu.memory_space<hbm>>, %arg4: memref<632x128xf32, #tpu.memory_space<hbm>>, %arg5: memref<2x10000x128xf32, #tpu.memory_space<hbm>>, %arg6: memref<10000x128xf32, #tpu.memory_space<vmem_shared>>, %arg7: memref<3x2x5x80xi32, #tpu.memory_space<vmem>>, %arg8: memref<4x80x128xf32, #tpu.memory_space<vmem>>, %arg9: memref<!tpu.dma_semaphore, #tpu.memory_space<semaphore_mem>>, %arg10: memref<!tpu.dma_semaphore, #tpu.memory_space<semaphore_mem>>, %arg11: memref<!tpu.dma_semaphore, #tpu.memory_space<semaphore_mem>>) attributes {dimension_semantics = [#tpu.dimension_semantics<core_parallel>, #tpu.dimension_semantics<subcore_parallel>], iteration_bounds = array<i64: 2, 16>, scalar_prefetch = 0 : i64, scratch_operands = 6 : i64, tpu.core_type = #tpu.core_type<sc_vector_subcore>, window_params = [{transform_indices = #map}, {transform_indices = #map1}, {transform_indices = #map}, {transform_indices = #map2}]} {
    %mul3A = arith.constant 25 : i32
    %mul3A_0 = arith.muli %arg1, %mul3A : i32
    %add3A = arith.constant 0 : i32
    %add3A_1 = arith.addi %mul3A_0, %add3A : i32
    %dma_start3A = arith.constant 0 : i32
    %dma_start3A_2 = arith.constant 0 : i32
    %dma_start3A_3 = arith.constant 0 : i32
    %dma_start3A_4 = arith.constant 0 : i32
    %dma_start3A_5 = tpu.memref_slice %arg7[%dma_start3A, %dma_start3A_2, %dma_start3A_3, %dma_start3A_4] : memref<3x2x5x80xi32, #tpu.memory_space<vmem>> -> memref<1x2x5x80xi32, #tpu.memory_space<vmem>>
    %dma_start3A_6 = tpu.memref_squeeze %dma_start3A_5 : memref<1x2x5x80xi32, #tpu.memory_space<vmem>> -> memref<2x5x80xi32, #tpu.memory_space<vmem>>
    %dma_start3A_7 = arith.constant 0 : i32
    %dma_start3A_8 = arith.constant 0 : i32
    %dma_start3A_9 = arith.constant 0 : i32
    %dma_start3A_10 = tpu.memref_slice %arg3[%add3A_1, %dma_start3A_7, %dma_start3A_8, %dma_start3A_9] : memref<400x2x5x80xi32, #tpu.memory_space<hbm>> -> memref<1x2x5x80xi32, #tpu.memory_space<hbm>>
    %dma_start3A_11 = tpu.memref_squeeze %dma_start3A_10 : memref<1x2x5x80xi32, #tpu.memory_space<hbm>> -> memref<2x5x80xi32, #tpu.memory_space<hbm>>
    %dma_start3A_12 = arith.constant 0 : i32
    %dma_start3A_13 = arith.constant 0 : i32
    %dma_start3A_14 = arith.constant 0 : i32
    %dma_start3A_15 = tpu.memref_slice %arg7[%dma_start3A, %dma_start3A_12, %dma_start3A_13, %dma_start3A_14] : memref<3x2x5x80xi32, #tpu.memory_space<vmem>> -> memref<1x2x5x80xi32, #tpu.memory_space<vmem>>
    %dma_start3A_16 = tpu.memref_squeeze %dma_start3A_15 : memref<1x2x5x80xi32, #tpu.memory_space<vmem>> -> memref<2x5x80xi32, #tpu.memory_space<vmem>>
    %dma_start3A_17 = arith.constant 0 : i32
    %dma_start3A_18 = arith.constant 0 : i32
    %dma_start3A_19 = arith.constant 0 : i32
    %dma_start3A_20 = tpu.memref_slice %arg3[%add3A_1, %dma_start3A_17, %dma_start3A_18, %dma_start3A_19] : memref<400x2x5x80xi32, #tpu.memory_space<hbm>> -> memref<1x2x5x80xi32, #tpu.memory_space<hbm>>
    %dma_start3A_21 = tpu.memref_squeeze %dma_start3A_20 : memref<1x2x5x80xi32, #tpu.memory_space<hbm>> -> memref<2x5x80xi32, #tpu.memory_space<hbm>>
    tpu.enqueue_dma source(%dma_start3A_21 : memref<2x5x80xi32, #tpu.memory_space<hbm>>) target(%dma_start3A_16 : memref<2x5x80xi32, #tpu.memory_space<vmem>>) target_semaphore(%arg11 : memref<!tpu.dma_semaphore, #tpu.memory_space<semaphore_mem>>)
    %mul3A_22 = arith.constant 25 : i32
    %mul3A_23 = arith.muli %arg1, %mul3A_22 : i32
    %add3A_24 = arith.constant 0 : i32
    %add3A_25 = arith.addi %mul3A_23, %add3A_24 : i32
    %dma_wait3A = arith.constant 0 : i32
    %dma_wait3A_26 = arith.constant 0 : i32
    %dma_wait3A_27 = arith.constant 0 : i32
    %dma_wait3A_28 = arith.constant 0 : i32
    %dma_wait3A_29 = tpu.memref_slice %arg7[%dma_wait3A, %dma_wait3A_26, %dma_wait3A_27, %dma_wait3A_28] : memref<3x2x5x80xi32, #tpu.memory_space<vmem>> -> memref<1x2x5x80xi32, #tpu.memory_space<vmem>>
    %dma_wait3A_30 = tpu.memref_squeeze %dma_wait3A_29 : memref<1x2x5x80xi32, #tpu.memory_space<vmem>> -> memref<2x5x80xi32, #tpu.memory_space<vmem>>
    %dma_wait3A_31 = arith.constant 0 : i32
    %dma_wait3A_32 = arith.constant 0 : i32
    %dma_wait3A_33 = arith.constant 0 : i32
    %dma_wait3A_34 = tpu.memref_slice %arg3[%add3A_25, %dma_wait3A_31, %dma_wait3A_32, %dma_wait3A_33] : memref<400x2x5x80xi32, #tpu.memory_space<hbm>> -> memref<1x2x5x80xi32, #tpu.memory_space<hbm>>
    %dma_wait3A_35 = tpu.memref_squeeze %dma_wait3A_34 : memref<1x2x5x80xi32, #tpu.memory_space<hbm>> -> memref<2x5x80xi32, #tpu.memory_space<hbm>>
    %dma_wait3A_36 = arith.constant 0 : i32
    %dma_wait3A_37 = arith.constant 0 : i32
    %dma_wait3A_38 = arith.constant 0 : i32
    %dma_wait3A_39 = tpu.memref_slice %arg7[%dma_wait3A, %dma_wait3A_36, %dma_wait3A_37, %dma_wait3A_38] : memref<3x2x5x80xi32, #tpu.memory_space<vmem>> -> memref<1x2x5x80xi32, #tpu.memory_space<vmem>>
    %dma_wait3A_40 = tpu.memref_squeeze %dma_wait3A_39 : memref<1x2x5x80xi32, #tpu.memory_space<vmem>> -> memref<2x5x80xi32, #tpu.memory_space<vmem>>
    %dma_wait3A_41 = arith.constant 0 : i32
    %dma_wait3A_42 = arith.constant 0 : i32
    %dma_wait3A_43 = arith.constant 0 : i32
    %dma_wait3A_44 = tpu.memref_slice %arg3[%add3A_25, %dma_wait3A_41, %dma_wait3A_42, %dma_wait3A_43] : memref<400x2x5x80xi32, #tpu.memory_space<hbm>> -> memref<1x2x5x80xi32, #tpu.memory_space<hbm>>
    %dma_wait3A_45 = tpu.memref_squeeze %dma_wait3A_44 : memref<1x2x5x80xi32, #tpu.memory_space<hbm>> -> memref<2x5x80xi32, #tpu.memory_space<hbm>>
    tpu.wait_dma2 semaphore(%arg11 : memref<!tpu.dma_semaphore, #tpu.memory_space<semaphore_mem>>) src(%dma_wait3A_45 : memref<2x5x80xi32, #tpu.memory_space<hbm>>) dst(%dma_wait3A_40 : memref<2x5x80xi32, #tpu.memory_space<vmem>>)
    %mul3A_46 = arith.constant 25 : i32
    %mul3A_47 = arith.muli %arg1, %mul3A_46 : i32
    %add3A_48 = arith.constant 1 : i32
    %add3A_49 = arith.addi %mul3A_47, %add3A_48 : i32
    %dma_start3A_50 = arith.constant 1 : i32
    %dma_start3A_51 = arith.constant 0 : i32
    %dma_start3A_52 = arith.constant 0 : i32
    %dma_start3A_53 = arith.constant 0 : i32
    %dma_start3A_54 = tpu.memref_slice %arg7[%dma_start3A_50, %dma_start3A_51, %dma_start3A_52, %dma_start3A_53] : memref<3x2x5x80xi32, #tpu.memory_space<vmem>> -> memref<1x2x5x80xi32, #tpu.memory_space<vmem>>
    %dma_start3A_55 = tpu.memref_squeeze %dma_start3A_54 : memref<1x2x5x80xi32, #tpu.memory_space<vmem>> -> memref<2x5x80xi32, #tpu.memory_space<vmem>>
    %dma_start3A_56 = arith.constant 0 : i32
    %dma_start3A_57 = arith.constant 0 : i32
    %dma_start3A_58 = arith.constant 0 : i32
    %dma_start3A_59 = tpu.memref_slice %arg3[%add3A_49, %dma_start3A_56, %dma_start3A_57, %dma_start3A_58] : memref<400x2x5x80xi32, #tpu.memory_space<hbm>> -> memref<1x2x5x80xi32, #tpu.memory_space<hbm>>
    %dma_start3A_60 = tpu.memref_squeeze %dma_start3A_59 : memref<1x2x5x80xi32, #tpu.memory_space<hbm>> -> memref<2x5x80xi32, #tpu.memory_space<hbm>>
    %dma_start3A_61 = arith.constant 0 : i32
    %dma_start3A_62 = arith.constant 0 : i32
    %dma_start3A_63 = arith.constant 0 : i32
    %dma_start3A_64 = tpu.memref_slice %arg7[%dma_start3A_50, %dma_start3A_61, %dma_start3A_62, %dma_start3A_63] : memref<3x2x5x80xi32, #tpu.memory_space<vmem>> -> memref<1x2x5x80xi32, #tpu.memory_space<vmem>>
    %dma_start3A_65 = tpu.memref_squeeze %dma_start3A_64 : memref<1x2x5x80xi32, #tpu.memory_space<vmem>> -> memref<2x5x80xi32, #tpu.memory_space<vmem>>
    %dma_start3A_66 = arith.constant 0 : i32
    %dma_start3A_67 = arith.constant 0 : i32
    %dma_start3A_68 = arith.constant 0 : i32
    %dma_start3A_69 = tpu.memref_slice %arg3[%add3A_49, %dma_start3A_66, %dma_start3A_67, %dma_start3A_68] : memref<400x2x5x80xi32, #tpu.memory_space<hbm>> -> memref<1x2x5x80xi32, #tpu.memory_space<hbm>>
    %dma_start3A_70 = tpu.memref_squeeze %dma_start3A_69 : memref<1x2x5x80xi32, #tpu.memory_space<hbm>> -> memref<2x5x80xi32, #tpu.memory_space<hbm>>
    tpu.enqueue_dma source(%dma_start3A_70 : memref<2x5x80xi32, #tpu.memory_space<hbm>>) target(%dma_start3A_65 : memref<2x5x80xi32, #tpu.memory_space<vmem>>) target_semaphore(%arg11 : memref<!tpu.dma_semaphore, #tpu.memory_space<semaphore_mem>>)
    %mul3A_71 = arith.constant 128 : i32
    %mul3A_72 = arith.muli %arg0, %mul3A_71 : i32
    %dma_start3A_73 = arith.constant 0 : i32
    %dma_start3A_74 = arith.constant 0 : i32
    %dma_start3A_75 = arith.constant 0 : i32
    %dma_start3A_76 = arith.constant 0 : i32
    %dma_start3A_77 = arith.constant 0 : i32
    %dma_start3A_78 = arith.constant 0 : i32
    %dma_start3A_79 = tpu.memref_slice %arg8[%dma_start3A_76, %dma_start3A_77, %dma_start3A_78] : memref<4x80x128xf32, #tpu.memory_space<vmem>> -> memref<1x80x128xf32, #tpu.memory_space<vmem>>
    %dma_start3A_80 = tpu.memref_squeeze %dma_start3A_79 : memref<1x80x128xf32, #tpu.memory_space<vmem>> -> memref<80x128xf32, #tpu.memory_space<vmem>>
    %dma_start3A_81 = arith.constant 0 : i32
    %dma_start3A_82 = tpu.memref_slice %arg7[%dma_start3A_73, %dma_start3A_74, %dma_start3A_75, %dma_start3A_81] : memref<3x2x5x80xi32, #tpu.memory_space<vmem>> -> memref<1x1x1x80xi32, #tpu.memory_space<vmem>>
    %dma_start3A_83 = tpu.memref_squeeze %dma_start3A_82 : memref<1x1x1x80xi32, #tpu.memory_space<vmem>> -> memref<80xi32, #tpu.memory_space<vmem>>
    %dma_start3A_84 = arith.constant 0 : i32
    %dma_start3A_85 = tpu.memref_slice %arg2[%dma_start3A_84, %mul3A_72] : memref<10000x256xf32, #tpu.memory_space<hbm>> -> memref<10000x128xf32, #tpu.memory_space<hbm>>
    tpu.enqueue_indirect_dma source(%dma_start3A_85 : memref<10000x128xf32, #tpu.memory_space<hbm>>) target(%dma_start3A_80 : memref<80x128xf32, #tpu.memory_space<vmem>>) offsets(%dma_start3A_83 : memref<80xi32, #tpu.memory_space<vmem>>) semaphore(%arg9 : memref<!tpu.dma_semaphore, #tpu.memory_space<semaphore_mem>>)
    %mul3A_86 = arith.constant 128 : i32
    %mul3A_87 = arith.muli %arg0, %mul3A_86 : i32
    %dma_start3A_88 = arith.constant 0 : i32
    %dma_start3A_89 = arith.constant 0 : i32
    %dma_start3A_90 = arith.constant 1 : i32
    %dma_start3A_91 = arith.constant 1 : i32
    %dma_start3A_92 = arith.constant 0 : i32
    %dma_start3A_93 = arith.constant 0 : i32
    %dma_start3A_94 = tpu.memref_slice %arg8[%dma_start3A_91, %dma_start3A_92, %dma_start3A_93] : memref<4x80x128xf32, #tpu.memory_space<vmem>> -> memref<1x80x128xf32, #tpu.memory_space<vmem>>
    %dma_start3A_95 = tpu.memref_squeeze %dma_start3A_94 : memref<1x80x128xf32, #tpu.memory_space<vmem>> -> memref<80x128xf32, #tpu.memory_space<vmem>>
    %dma_start3A_96 = arith.constant 0 : i32
    %dma_start3A_97 = tpu.memref_slice %arg7[%dma_start3A_88, %dma_start3A_89, %dma_start3A_90, %dma_start3A_96] : memref<3x2x5x80xi32, #tpu.memory_space<vmem>> -> memref<1x1x1x80xi32, #tpu.memory_space<vmem>>
    %dma_start3A_98 = tpu.memref_squeeze %dma_start3A_97 : memref<1x1x1x80xi32, #tpu.memory_space<vmem>> -> memref<80xi32, #tpu.memory_space<vmem>>
    %dma_start3A_99 = arith.constant 0 : i32
    %dma_start3A_100 = tpu.memref_slice %arg2[%dma_start3A_99, %mul3A_87] : memref<10000x256xf32, #tpu.memory_space<hbm>> -> memref<10000x128xf32, #tpu.memory_space<hbm>>
    tpu.enqueue_indirect_dma source(%dma_start3A_100 : memref<10000x128xf32, #tpu.memory_space<hbm>>) target(%dma_start3A_95 : memref<80x128xf32, #tpu.memory_space<vmem>>) offsets(%dma_start3A_98 : memref<80xi32, #tpu.memory_space<vmem>>) semaphore(%arg9 : memref<!tpu.dma_semaphore, #tpu.memory_space<semaphore_mem>>)
    %mul3A_101 = arith.constant 632 : i32
    %mul3A_102 = arith.muli %arg1, %mul3A_101 : i32
    %min3A = arith.constant 9368 : i32
    %min3A_103 = arith.minsi %mul3A_102, %min3A : i32
    %multiple_of3A = tpu.assume_multiple %min3A_103, 8 : i32
    "tpu.region"() ({
      %run_scoped3A = tpu.sem_alloc : memref<!tpu.dma_semaphore, #tpu.memory_space<semaphore_mem>>
      %dma_start3A_139 = arith.constant 0 : i32
      %dma_start3A_140 = tpu.memref_slice %arg6[%multiple_of3A, %dma_start3A_139] : memref<10000x128xf32, #tpu.memory_space<vmem_shared>> -> memref<632x128xf32, #tpu.memory_space<vmem_shared>>
      tpu.enqueue_dma source(%arg4 : memref<632x128xf32, #tpu.memory_space<hbm>>) target(%dma_start3A_140 : memref<632x128xf32, #tpu.memory_space<vmem_shared>>) target_semaphore(%run_scoped3A : memref<!tpu.dma_semaphore, #tpu.memory_space<semaphore_mem>>)
      %dma_wait3A_141 = arith.constant 0 : i32
      %dma_wait3A_142 = tpu.memref_slice %arg6[%multiple_of3A, %dma_wait3A_141] : memref<10000x128xf32, #tpu.memory_space<vmem_shared>> -> memref<632x128xf32, #tpu.memory_space<vmem_shared>>
      tpu.wait_dma2 semaphore(%run_scoped3A : memref<!tpu.dma_semaphore, #tpu.memory_space<semaphore_mem>>) src(%arg4 : memref<632x128xf32, #tpu.memory_space<hbm>>) dst(%dma_wait3A_142 : memref<632x128xf32, #tpu.memory_space<vmem_shared>>)
      tpu.yield
    }) : () -> ()
    %barrier3A = arith.constant 0 : index
    tpu.barrier barrier_id(%barrier3A)
    %scan3A = arith.constant 0 : i32
    %scan3A_104 = arith.constant 0 : i32
    %scan3A_105 = arith.constant 125 : i32
    %scan3A_106 = arith.addi %scan3A_104, %scan3A_105 : i32
    %scan3A_107 = arith.constant 1 : i32
    %scan3A_108 = scf.for %scan3A_139 = %scan3A_104 to %scan3A_106 step %scan3A_107 iter_args(%scan3A_140 = %scan3A) -> (i32)  : i32 {
      %ge3A = arith.constant 2 : i32
      %ge3A_141 = arith.cmpi sge, %scan3A_139, %ge3A : i32
      %convert_element_type3A = arith.extui %ge3A_141 : i1 to i32
      %cond3A = arith.constant 0 : i32
      %cond3A_142 = arith.cmpi ne, %convert_element_type3A, %cond3A : i32
      scf.if %cond3A_142 {
        %sub3A_308 = arith.constant 2 : i32
        %sub3A_309 = arith.subi %scan3A_139, %sub3A_308 : i32
        %jit3A_310 = arith.constant 4 : i32
        %eq3A_311 = arith.constant 0 : i32
        %eq3A_312 = arith.cmpi eq, %jit3A_310, %eq3A_311 : i32
        %jit3A_313 = arith.constant 1 : i32
        %select_n3A_314 = arith.select %eq3A_312, %jit3A_313, %jit3A_310 : i32
        %rem3A_315 = arith.remsi %sub3A_309, %select_n3A_314 : i32
        %ne3A_316 = arith.constant 0 : i32
        %ne3A_317 = arith.cmpi ne, %rem3A_315, %ne3A_316 : i32
        %lt3A_318 = arith.constant 0 : i32
        %lt3A_319 = arith.cmpi slt, %rem3A_315, %lt3A_318 : i32
        %lt3A_320 = arith.constant 0 : i32
        %lt3A_321 = arith.cmpi slt, %select_n3A_314, %lt3A_320 : i32
        %ne3A_322 = arith.xori %lt3A_319, %lt3A_321 : i1
        %and3A_323 = arith.andi %ne3A_322, %ne3A_317 : i1
        %add3A_324 = arith.addi %rem3A_315, %select_n3A_314 : i32
        %select_n3A_325 = arith.select %and3A_323, %add3A_324, %rem3A_315 : i32
        %jit3A_326 = arith.constant 5 : i32
        %div3A_327 = arith.divsi %sub3A_309, %jit3A_326 : i32
        %sign3A_328 = arith.constant 0 : i32
        %sign3A_329 = arith.cmpi sgt, %sub3A_309, %sign3A_328 : i32
        %sign3A_330 = arith.extui %sign3A_329 : i1 to i32
        %sign3A_331 = arith.constant 0 : i32
        %sign3A_332 = arith.cmpi slt, %sub3A_309, %sign3A_331 : i32
        %sign3A_333 = arith.extui %sign3A_332 : i1 to i32
        %sign3A_334 = arith.subi %sign3A_330, %sign3A_333 : i32
        %sign3A_335 = arith.constant 0 : i32
        %sign3A_336 = arith.cmpi sgt, %jit3A_326, %sign3A_335 : i32
        %sign3A_337 = arith.extui %sign3A_336 : i1 to i32
        %sign3A_338 = arith.constant 0 : i32
        %sign3A_339 = arith.cmpi slt, %jit3A_326, %sign3A_338 : i32
        %sign3A_340 = arith.extui %sign3A_339 : i1 to i32
        %sign3A_341 = arith.subi %sign3A_337, %sign3A_340 : i32
        %ne3A_342 = arith.cmpi ne, %sign3A_334, %sign3A_341 : i32
        %rem3A_343 = arith.remsi %sub3A_309, %jit3A_326 : i32
        %ne3A_344 = arith.constant 0 : i32
        %ne3A_345 = arith.cmpi ne, %rem3A_343, %ne3A_344 : i32
        %and3A_346 = arith.andi %ne3A_342, %ne3A_345 : i1
        %sub3A_347 = arith.constant 1 : i32
        %sub3A_348 = arith.subi %div3A_327, %sub3A_347 : i32
        %select_n3A_349 = arith.select %and3A_346, %sub3A_348, %div3A_327 : i32
        %jit3A_350 = arith.constant 3 : i32
        %eq3A_351 = arith.constant 0 : i32
        %eq3A_352 = arith.cmpi eq, %jit3A_350, %eq3A_351 : i32
        %jit3A_353 = arith.constant 1 : i32
        %select_n3A_354 = arith.select %eq3A_352, %jit3A_353, %jit3A_350 : i32
        %rem3A_355 = arith.remsi %select_n3A_349, %select_n3A_354 : i32
        %ne3A_356 = arith.constant 0 : i32
        %ne3A_357 = arith.cmpi ne, %rem3A_355, %ne3A_356 : i32
        %lt3A_358 = arith.constant 0 : i32
        %lt3A_359 = arith.cmpi slt, %rem3A_355, %lt3A_358 : i32
        %lt3A_360 = arith.constant 0 : i32
        %lt3A_361 = arith.cmpi slt, %select_n3A_354, %lt3A_360 : i32
        %ne3A_362 = arith.xori %lt3A_359, %lt3A_361 : i1
        %and3A_363 = arith.andi %ne3A_362, %ne3A_357 : i1
        %add3A_364 = arith.addi %rem3A_355, %select_n3A_354 : i32
        %select_n3A_365 = arith.select %and3A_363, %add3A_364, %rem3A_355 : i32
        %jit3A_366 = arith.constant 5 : i32
        %eq3A_367 = arith.constant 0 : i32
        %eq3A_368 = arith.cmpi eq, %jit3A_366, %eq3A_367 : i32
        %jit3A_369 = arith.constant 1 : i32
        %select_n3A_370 = arith.select %eq3A_368, %jit3A_369, %jit3A_366 : i32
        %rem3A_371 = arith.remsi %sub3A_309, %select_n3A_370 : i32
        %ne3A_372 = arith.constant 0 : i32
        %ne3A_373 = arith.cmpi ne, %rem3A_371, %ne3A_372 : i32
        %lt3A_374 = arith.constant 0 : i32
        %lt3A_375 = arith.cmpi slt, %rem3A_371, %lt3A_374 : i32
        %lt3A_376 = arith.constant 0 : i32
        %lt3A_377 = arith.cmpi slt, %select_n3A_370, %lt3A_376 : i32
        %ne3A_378 = arith.xori %lt3A_375, %lt3A_377 : i1
        %and3A_379 = arith.andi %ne3A_378, %ne3A_373 : i1
        %add3A_380 = arith.addi %rem3A_371, %select_n3A_370 : i32
        %select_n3A_381 = arith.select %and3A_379, %add3A_380, %rem3A_371 : i32
        %dma_wait3A_382 = arith.constant 1 : i32
        %dma_wait3A_383 = arith.constant 0 : i32
        %dma_wait3A_384 = arith.constant 0 : i32
        %dma_wait3A_385 = tpu.memref_slice %arg8[%select_n3A_325, %dma_wait3A_383, %dma_wait3A_384] : memref<4x80x128xf32, #tpu.memory_space<vmem>> -> memref<1x80x128xf32, #tpu.memory_space<vmem>>
        %dma_wait3A_386 = tpu.memref_squeeze %dma_wait3A_385 : memref<1x80x128xf32, #tpu.memory_space<vmem>> -> memref<80x128xf32, #tpu.memory_space<vmem>>
        %dma_wait3A_387 = arith.constant 0 : i32
        %dma_wait3A_388 = tpu.memref_slice %arg7[%select_n3A_365, %dma_wait3A_382, %select_n3A_381, %dma_wait3A_387] : memref<3x2x5x80xi32, #tpu.memory_space<vmem>> -> memref<1x1x1x80xi32, #tpu.memory_space<vmem>>
        %dma_wait3A_389 = tpu.memref_squeeze %dma_wait3A_388 : memref<1x1x1x80xi32, #tpu.memory_space<vmem>> -> memref<80xi32, #tpu.memory_space<vmem>>
        %dma_wait3A_390 = arith.constant 0 : i32
        %dma_wait3A_391 = arith.constant 0 : i32
        %dma_wait3A_392 = tpu.memref_slice %arg6[%dma_wait3A_390, %dma_wait3A_391] : memref<10000x128xf32, #tpu.memory_space<vmem_shared>> -> memref<10000x128xf32, #tpu.memory_space<vmem_shared>>
        tpu.wait_indirect_dma semaphore(%arg10 : memref<!tpu.dma_semaphore, #tpu.memory_space<semaphore_mem>>) src(%dma_wait3A_386 : memref<80x128xf32, #tpu.memory_space<vmem>>) dst(%dma_wait3A_392 : memref<10000x128xf32, #tpu.memory_space<vmem_shared>>)
      } else {
      }
      %add3A_143 = arith.constant 2 : i32
      %add3A_144 = arith.addi %scan3A_139, %add3A_143 : i32
      %lt3A = arith.constant 125 : i32
      %lt3A_145 = arith.cmpi slt, %add3A_144, %lt3A : i32
      %convert_element_type3A_146 = arith.extui %lt3A_145 : i1 to i32
      %cond3A_147 = arith.constant 0 : i32
      %cond3A_148 = arith.cmpi ne, %convert_element_type3A_146, %cond3A_147 : i32
      scf.if %cond3A_148 {
        %add3A_308 = arith.constant 2 : i32
        %add3A_309 = arith.addi %scan3A_139, %add3A_308 : i32
        %jit3A_310 = arith.constant 5 : i32
        %eq3A_311 = arith.constant 0 : i32
        %eq3A_312 = arith.cmpi eq, %jit3A_310, %eq3A_311 : i32
        %jit3A_313 = arith.constant 1 : i32
        %select_n3A_314 = arith.select %eq3A_312, %jit3A_313, %jit3A_310 : i32
        %rem3A_315 = arith.remsi %add3A_309, %select_n3A_314 : i32
        %ne3A_316 = arith.constant 0 : i32
        %ne3A_317 = arith.cmpi ne, %rem3A_315, %ne3A_316 : i32
        %lt3A_318 = arith.constant 0 : i32
        %lt3A_319 = arith.cmpi slt, %rem3A_315, %lt3A_318 : i32
        %lt3A_320 = arith.constant 0 : i32
        %lt3A_321 = arith.cmpi slt, %select_n3A_314, %lt3A_320 : i32
        %ne3A_322 = arith.xori %lt3A_319, %lt3A_321 : i1
        %and3A_323 = arith.andi %ne3A_322, %ne3A_317 : i1
        %add3A_324 = arith.addi %rem3A_315, %select_n3A_314 : i32
        %select_n3A_325 = arith.select %and3A_323, %add3A_324, %rem3A_315 : i32
        %eq3A_326 = arith.constant 0 : i32
        %eq3A_327 = arith.cmpi eq, %select_n3A_325, %eq3A_326 : i32
        %convert_element_type3A_328 = arith.extui %eq3A_327 : i1 to i32
        %cond3A_329 = arith.constant 0 : i32
        %cond3A_330 = arith.cmpi ne, %convert_element_type3A_328, %cond3A_329 : i32
        scf.if %cond3A_330 {
          %jit3A_415 = arith.constant 5 : i32
          %div3A_416 = arith.divsi %add3A_309, %jit3A_415 : i32
          %sign3A_417 = arith.constant 0 : i32
          %sign3A_418 = arith.cmpi sgt, %add3A_309, %sign3A_417 : i32
          %sign3A_419 = arith.extui %sign3A_418 : i1 to i32
          %sign3A_420 = arith.constant 0 : i32
          %sign3A_421 = arith.cmpi slt, %add3A_309, %sign3A_420 : i32
          %sign3A_422 = arith.extui %sign3A_421 : i1 to i32
          %sign3A_423 = arith.subi %sign3A_419, %sign3A_422 : i32
          %sign3A_424 = arith.constant 0 : i32
          %sign3A_425 = arith.cmpi sgt, %jit3A_415, %sign3A_424 : i32
          %sign3A_426 = arith.extui %sign3A_425 : i1 to i32
          %sign3A_427 = arith.constant 0 : i32
          %sign3A_428 = arith.cmpi slt, %jit3A_415, %sign3A_427 : i32
          %sign3A_429 = arith.extui %sign3A_428 : i1 to i32
          %sign3A_430 = arith.subi %sign3A_426, %sign3A_429 : i32
          %ne3A_431 = arith.cmpi ne, %sign3A_423, %sign3A_430 : i32
          %rem3A_432 = arith.remsi %add3A_309, %jit3A_415 : i32
          %ne3A_433 = arith.constant 0 : i32
          %ne3A_434 = arith.cmpi ne, %rem3A_432, %ne3A_433 : i32
          %and3A_435 = arith.andi %ne3A_431, %ne3A_434 : i1
          %sub3A_436 = arith.constant 1 : i32
          %sub3A_437 = arith.subi %div3A_416, %sub3A_436 : i32
          %select_n3A_438 = arith.select %and3A_435, %sub3A_437, %div3A_416 : i32
          %mul3A_439 = arith.constant 25 : i32
          %mul3A_440 = arith.muli %arg1, %mul3A_439 : i32
          %add3A_441 = arith.addi %mul3A_440, %select_n3A_438 : i32
          %jit3A_442 = arith.constant 3 : i32
          %eq3A_443 = arith.constant 0 : i32
          %eq3A_444 = arith.cmpi eq, %jit3A_442, %eq3A_443 : i32
          %jit3A_445 = arith.constant 1 : i32
          %select_n3A_446 = arith.select %eq3A_444, %jit3A_445, %jit3A_442 : i32
          %rem3A_447 = arith.remsi %select_n3A_438, %select_n3A_446 : i32
          %ne3A_448 = arith.constant 0 : i32
          %ne3A_449 = arith.cmpi ne, %rem3A_447, %ne3A_448 : i32
          %lt3A_450 = arith.constant 0 : i32
          %lt3A_451 = arith.cmpi slt, %rem3A_447, %lt3A_450 : i32
          %lt3A_452 = arith.constant 0 : i32
          %lt3A_453 = arith.cmpi slt, %select_n3A_446, %lt3A_452 : i32
          %ne3A_454 = arith.xori %lt3A_451, %lt3A_453 : i1
          %and3A_455 = arith.andi %ne3A_454, %ne3A_449 : i1
          %add3A_456 = arith.addi %rem3A_447, %select_n3A_446 : i32
          %select_n3A_457 = arith.select %and3A_455, %add3A_456, %rem3A_447 : i32
          %dma_wait3A_458 = arith.constant 0 : i32
          %dma_wait3A_459 = arith.constant 0 : i32
          %dma_wait3A_460 = arith.constant 0 : i32
          %dma_wait3A_461 = tpu.memref_slice %arg7[%select_n3A_457, %dma_wait3A_458, %dma_wait3A_459, %dma_wait3A_460] : memref<3x2x5x80xi32, #tpu.memory_space<vmem>> -> memref<1x2x5x80xi32, #tpu.memory_space<vmem>>
          %dma_wait3A_462 = tpu.memref_squeeze %dma_wait3A_461 : memref<1x2x5x80xi32, #tpu.memory_space<vmem>> -> memref<2x5x80xi32, #tpu.memory_space<vmem>>
          %dma_wait3A_463 = arith.constant 0 : i32
          %dma_wait3A_464 = arith.constant 0 : i32
          %dma_wait3A_465 = arith.constant 0 : i32
          %dma_wait3A_466 = tpu.memref_slice %arg3[%add3A_441, %dma_wait3A_463, %dma_wait3A_464, %dma_wait3A_465] : memref<400x2x5x80xi32, #tpu.memory_space<hbm>> -> memref<1x2x5x80xi32, #tpu.memory_space<hbm>>
          %dma_wait3A_467 = tpu.memref_squeeze %dma_wait3A_466 : memref<1x2x5x80xi32, #tpu.memory_space<hbm>> -> memref<2x5x80xi32, #tpu.memory_space<hbm>>
          %dma_wait3A_468 = arith.constant 0 : i32
          %dma_wait3A_469 = arith.constant 0 : i32
          %dma_wait3A_470 = arith.constant 0 : i32
          %dma_wait3A_471 = tpu.memref_slice %arg7[%select_n3A_457, %dma_wait3A_468, %dma_wait3A_469, %dma_wait3A_470] : memref<3x2x5x80xi32, #tpu.memory_space<vmem>> -> memref<1x2x5x80xi32, #tpu.memory_space<vmem>>
          %dma_wait3A_472 = tpu.memref_squeeze %dma_wait3A_471 : memref<1x2x5x80xi32, #tpu.memory_space<vmem>> -> memref<2x5x80xi32, #tpu.memory_space<vmem>>
          %dma_wait3A_473 = arith.constant 0 : i32
          %dma_wait3A_474 = arith.constant 0 : i32
          %dma_wait3A_475 = arith.constant 0 : i32
          %dma_wait3A_476 = tpu.memref_slice %arg3[%add3A_441, %dma_wait3A_473, %dma_wait3A_474, %dma_wait3A_475] : memref<400x2x5x80xi32, #tpu.memory_space<hbm>> -> memref<1x2x5x80xi32, #tpu.memory_space<hbm>>
          %dma_wait3A_477 = tpu.memref_squeeze %dma_wait3A_476 : memref<1x2x5x80xi32, #tpu.memory_space<hbm>> -> memref<2x5x80xi32, #tpu.memory_space<hbm>>
          tpu.wait_dma2 semaphore(%arg11 : memref<!tpu.dma_semaphore, #tpu.memory_space<semaphore_mem>>) src(%dma_wait3A_477 : memref<2x5x80xi32, #tpu.memory_space<hbm>>) dst(%dma_wait3A_472 : memref<2x5x80xi32, #tpu.memory_space<vmem>>)
          %add3A_478 = arith.constant 1 : i32
          %add3A_479 = arith.addi %select_n3A_438, %add3A_478 : i32
          %lt3A_480 = arith.constant 25 : i32
          %lt3A_481 = arith.cmpi slt, %add3A_479, %lt3A_480 : i32
          %convert_element_type3A_482 = arith.extui %lt3A_481 : i1 to i32
          %cond3A_483 = arith.constant 0 : i32
          %cond3A_484 = arith.cmpi ne, %convert_element_type3A_482, %cond3A_483 : i32
          scf.if %cond3A_484 {
            %add3A_485 = arith.constant 1 : i32
            %add3A_486 = arith.addi %select_n3A_438, %add3A_485 : i32
            %mul3A_487 = arith.constant 25 : i32
            %mul3A_488 = arith.muli %arg1, %mul3A_487 : i32
            %add3A_489 = arith.addi %mul3A_488, %add3A_486 : i32
            %jit3A_490 = arith.constant 3 : i32
            %eq3A_491 = arith.constant 0 : i32
            %eq3A_492 = arith.cmpi eq, %jit3A_490, %eq3A_491 : i32
            %jit3A_493 = arith.constant 1 : i32
            %select_n3A_494 = arith.select %eq3A_492, %jit3A_493, %jit3A_490 : i32
            %rem3A_495 = arith.remsi %add3A_486, %select_n3A_494 : i32
            %ne3A_496 = arith.constant 0 : i32
            %ne3A_497 = arith.cmpi ne, %rem3A_495, %ne3A_496 : i32
            %lt3A_498 = arith.constant 0 : i32
            %lt3A_499 = arith.cmpi slt, %rem3A_495, %lt3A_498 : i32
            %lt3A_500 = arith.constant 0 : i32
            %lt3A_501 = arith.cmpi slt, %select_n3A_494, %lt3A_500 : i32
            %ne3A_502 = arith.xori %lt3A_499, %lt3A_501 : i1
            %and3A_503 = arith.andi %ne3A_502, %ne3A_497 : i1
            %add3A_504 = arith.addi %rem3A_495, %select_n3A_494 : i32
            %select_n3A_505 = arith.select %and3A_503, %add3A_504, %rem3A_495 : i32
            %dma_start3A_506 = arith.constant 0 : i32
            %dma_start3A_507 = arith.constant 0 : i32
            %dma_start3A_508 = arith.constant 0 : i32
            %dma_start3A_509 = tpu.memref_slice %arg7[%select_n3A_505, %dma_start3A_506, %dma_start3A_507, %dma_start3A_508] : memref<3x2x5x80xi32, #tpu.memory_space<vmem>> -> memref<1x2x5x80xi32, #tpu.memory_space<vmem>>
            %dma_start3A_510 = tpu.memref_squeeze %dma_start3A_509 : memref<1x2x5x80xi32, #tpu.memory_space<vmem>> -> memref<2x5x80xi32, #tpu.memory_space<vmem>>
            %dma_start3A_511 = arith.constant 0 : i32
            %dma_start3A_512 = arith.constant 0 : i32
            %dma_start3A_513 = arith.constant 0 : i32
            %dma_start3A_514 = tpu.memref_slice %arg3[%add3A_489, %dma_start3A_511, %dma_start3A_512, %dma_start3A_513] : memref<400x2x5x80xi32, #tpu.memory_space<hbm>> -> memref<1x2x5x80xi32, #tpu.memory_space<hbm>>
            %dma_start3A_515 = tpu.memref_squeeze %dma_start3A_514 : memref<1x2x5x80xi32, #tpu.memory_space<hbm>> -> memref<2x5x80xi32, #tpu.memory_space<hbm>>
            %dma_start3A_516 = arith.constant 0 : i32
            %dma_start3A_517 = arith.constant 0 : i32
            %dma_start3A_518 = arith.constant 0 : i32
            %dma_start3A_519 = tpu.memref_slice %arg7[%select_n3A_505, %dma_start3A_516, %dma_start3A_517, %dma_start3A_518] : memref<3x2x5x80xi32, #tpu.memory_space<vmem>> -> memref<1x2x5x80xi32, #tpu.memory_space<vmem>>
            %dma_start3A_520 = tpu.memref_squeeze %dma_start3A_519 : memref<1x2x5x80xi32, #tpu.memory_space<vmem>> -> memref<2x5x80xi32, #tpu.memory_space<vmem>>
            %dma_start3A_521 = arith.constant 0 : i32
            %dma_start3A_522 = arith.constant 0 : i32
            %dma_start3A_523 = arith.constant 0 : i32
            %dma_start3A_524 = tpu.memref_slice %arg3[%add3A_489, %dma_start3A_521, %dma_start3A_522, %dma_start3A_523] : memref<400x2x5x80xi32, #tpu.memory_space<hbm>> -> memref<1x2x5x80xi32, #tpu.memory_space<hbm>>
            %dma_start3A_525 = tpu.memref_squeeze %dma_start3A_524 : memref<1x2x5x80xi32, #tpu.memory_space<hbm>> -> memref<2x5x80xi32, #tpu.memory_space<hbm>>
            tpu.enqueue_dma source(%dma_start3A_525 : memref<2x5x80xi32, #tpu.memory_space<hbm>>) target(%dma_start3A_520 : memref<2x5x80xi32, #tpu.memory_space<vmem>>) target_semaphore(%arg11 : memref<!tpu.dma_semaphore, #tpu.memory_space<semaphore_mem>>)
          } else {
          }
        } else {
        }
        %jit3A_331 = arith.constant 5 : i32
        %div3A_332 = arith.divsi %add3A_309, %jit3A_331 : i32
        %sign3A_333 = arith.constant 0 : i32
        %sign3A_334 = arith.cmpi sgt, %add3A_309, %sign3A_333 : i32
        %sign3A_335 = arith.extui %sign3A_334 : i1 to i32
        %sign3A_336 = arith.constant 0 : i32
        %sign3A_337 = arith.cmpi slt, %add3A_309, %sign3A_336 : i32
        %sign3A_338 = arith.extui %sign3A_337 : i1 to i32
        %sign3A_339 = arith.subi %sign3A_335, %sign3A_338 : i32
        %sign3A_340 = arith.constant 0 : i32
        %sign3A_341 = arith.cmpi sgt, %jit3A_331, %sign3A_340 : i32
        %sign3A_342 = arith.extui %sign3A_341 : i1 to i32
        %sign3A_343 = arith.constant 0 : i32
        %sign3A_344 = arith.cmpi slt, %jit3A_331, %sign3A_343 : i32
        %sign3A_345 = arith.extui %sign3A_344 : i1 to i32
        %sign3A_346 = arith.subi %sign3A_342, %sign3A_345 : i32
        %ne3A_347 = arith.cmpi ne, %sign3A_339, %sign3A_346 : i32
        %rem3A_348 = arith.remsi %add3A_309, %jit3A_331 : i32
        %ne3A_349 = arith.constant 0 : i32
        %ne3A_350 = arith.cmpi ne, %rem3A_348, %ne3A_349 : i32
        %and3A_351 = arith.andi %ne3A_347, %ne3A_350 : i1
        %sub3A_352 = arith.constant 1 : i32
        %sub3A_353 = arith.subi %div3A_332, %sub3A_352 : i32
        %select_n3A_354 = arith.select %and3A_351, %sub3A_353, %div3A_332 : i32
        %jit3A_355 = arith.constant 3 : i32
        %eq3A_356 = arith.constant 0 : i32
        %eq3A_357 = arith.cmpi eq, %jit3A_355, %eq3A_356 : i32
        %jit3A_358 = arith.constant 1 : i32
        %select_n3A_359 = arith.select %eq3A_357, %jit3A_358, %jit3A_355 : i32
        %rem3A_360 = arith.remsi %select_n3A_354, %select_n3A_359 : i32
        %ne3A_361 = arith.constant 0 : i32
        %ne3A_362 = arith.cmpi ne, %rem3A_360, %ne3A_361 : i32
        %lt3A_363 = arith.constant 0 : i32
        %lt3A_364 = arith.cmpi slt, %rem3A_360, %lt3A_363 : i32
        %lt3A_365 = arith.constant 0 : i32
        %lt3A_366 = arith.cmpi slt, %select_n3A_359, %lt3A_365 : i32
        %ne3A_367 = arith.xori %lt3A_364, %lt3A_366 : i1
        %and3A_368 = arith.andi %ne3A_367, %ne3A_362 : i1
        %add3A_369 = arith.addi %rem3A_360, %select_n3A_359 : i32
        %select_n3A_370 = arith.select %and3A_368, %add3A_369, %rem3A_360 : i32
        %jit3A_371 = arith.constant 5 : i32
        %eq3A_372 = arith.constant 0 : i32
        %eq3A_373 = arith.cmpi eq, %jit3A_371, %eq3A_372 : i32
        %jit3A_374 = arith.constant 1 : i32
        %select_n3A_375 = arith.select %eq3A_373, %jit3A_374, %jit3A_371 : i32
        %rem3A_376 = arith.remsi %add3A_309, %select_n3A_375 : i32
        %ne3A_377 = arith.constant 0 : i32
        %ne3A_378 = arith.cmpi ne, %rem3A_376, %ne3A_377 : i32
        %lt3A_379 = arith.constant 0 : i32
        %lt3A_380 = arith.cmpi slt, %rem3A_376, %lt3A_379 : i32
        %lt3A_381 = arith.constant 0 : i32
        %lt3A_382 = arith.cmpi slt, %select_n3A_375, %lt3A_381 : i32
        %ne3A_383 = arith.xori %lt3A_380, %lt3A_382 : i1
        %and3A_384 = arith.andi %ne3A_383, %ne3A_378 : i1
        %add3A_385 = arith.addi %rem3A_376, %select_n3A_375 : i32
        %select_n3A_386 = arith.select %and3A_384, %add3A_385, %rem3A_376 : i32
        %mul3A_387 = arith.constant 128 : i32
        %mul3A_388 = arith.muli %arg0, %mul3A_387 : i32
        %jit3A_389 = arith.constant 4 : i32
        %eq3A_390 = arith.constant 0 : i32
        %eq3A_391 = arith.cmpi eq, %jit3A_389, %eq3A_390 : i32
        %jit3A_392 = arith.constant 1 : i32
        %select_n3A_393 = arith.select %eq3A_391, %jit3A_392, %jit3A_389 : i32
        %rem3A_394 = arith.remsi %add3A_309, %select_n3A_393 : i32
        %ne3A_395 = arith.constant 0 : i32
        %ne3A_396 = arith.cmpi ne, %rem3A_394, %ne3A_395 : i32
        %lt3A_397 = arith.constant 0 : i32
        %lt3A_398 = arith.cmpi slt, %rem3A_394, %lt3A_397 : i32
        %lt3A_399 = arith.constant 0 : i32
        %lt3A_400 = arith.cmpi slt, %select_n3A_393, %lt3A_399 : i32
        %ne3A_401 = arith.xori %lt3A_398, %lt3A_400 : i1
        %and3A_402 = arith.andi %ne3A_401, %ne3A_396 : i1
        %add3A_403 = arith.addi %rem3A_394, %select_n3A_393 : i32
        %select_n3A_404 = arith.select %and3A_402, %add3A_403, %rem3A_394 : i32
        %dma_start3A_405 = arith.constant 0 : i32
        %dma_start3A_406 = arith.constant 0 : i32
        %dma_start3A_407 = arith.constant 0 : i32
        %dma_start3A_408 = tpu.memref_slice %arg8[%select_n3A_404, %dma_start3A_406, %dma_start3A_407] : memref<4x80x128xf32, #tpu.memory_space<vmem>> -> memref<1x80x128xf32, #tpu.memory_space<vmem>>
        %dma_start3A_409 = tpu.memref_squeeze %dma_start3A_408 : memref<1x80x128xf32, #tpu.memory_space<vmem>> -> memref<80x128xf32, #tpu.memory_space<vmem>>
        %dma_start3A_410 = arith.constant 0 : i32
        %dma_start3A_411 = tpu.memref_slice %arg7[%select_n3A_370, %dma_start3A_405, %select_n3A_386, %dma_start3A_410] : memref<3x2x5x80xi32, #tpu.memory_space<vmem>> -> memref<1x1x1x80xi32, #tpu.memory_space<vmem>>
        %dma_start3A_412 = tpu.memref_squeeze %dma_start3A_411 : memref<1x1x1x80xi32, #tpu.memory_space<vmem>> -> memref<80xi32, #tpu.memory_space<vmem>>
        %dma_start3A_413 = arith.constant 0 : i32
        %dma_start3A_414 = tpu.memref_slice %arg2[%dma_start3A_413, %mul3A_388] : memref<10000x256xf32, #tpu.memory_space<hbm>> -> memref<10000x128xf32, #tpu.memory_space<hbm>>
        tpu.enqueue_indirect_dma source(%dma_start3A_414 : memref<10000x128xf32, #tpu.memory_space<hbm>>) target(%dma_start3A_409 : memref<80x128xf32, #tpu.memory_space<vmem>>) offsets(%dma_start3A_412 : memref<80xi32, #tpu.memory_space<vmem>>) semaphore(%arg9 : memref<!tpu.dma_semaphore, #tpu.memory_space<semaphore_mem>>)
      } else {
      }
      %jit3A = arith.constant 5 : i32
      %div3A = arith.divsi %scan3A_139, %jit3A : i32
      %sign3A = arith.constant 0 : i32
      %sign3A_149 = arith.cmpi sgt, %scan3A_139, %sign3A : i32
      %sign3A_150 = arith.extui %sign3A_149 : i1 to i32
      %sign3A_151 = arith.constant 0 : i32
      %sign3A_152 = arith.cmpi slt, %scan3A_139, %sign3A_151 : i32
      %sign3A_153 = arith.extui %sign3A_152 : i1 to i32
      %sign3A_154 = arith.subi %sign3A_150, %sign3A_153 : i32
      %sign3A_155 = arith.constant 0 : i32
      %sign3A_156 = arith.cmpi sgt, %jit3A, %sign3A_155 : i32
      %sign3A_157 = arith.extui %sign3A_156 : i1 to i32
      %sign3A_158 = arith.constant 0 : i32
      %sign3A_159 = arith.cmpi slt, %jit3A, %sign3A_158 : i32
      %sign3A_160 = arith.extui %sign3A_159 : i1 to i32
      %sign3A_161 = arith.subi %sign3A_157, %sign3A_160 : i32
      %ne3A = arith.cmpi ne, %sign3A_154, %sign3A_161 : i32
      %rem3A = arith.remsi %scan3A_139, %jit3A : i32
      %ne3A_162 = arith.constant 0 : i32
      %ne3A_163 = arith.cmpi ne, %rem3A, %ne3A_162 : i32
      %and3A = arith.andi %ne3A, %ne3A_163 : i1
      %sub3A = arith.constant 1 : i32
      %sub3A_164 = arith.subi %div3A, %sub3A : i32
      %select_n3A = arith.select %and3A, %sub3A_164, %div3A : i32
      %jit3A_165 = arith.constant 3 : i32
      %eq3A = arith.constant 0 : i32
      %eq3A_166 = arith.cmpi eq, %jit3A_165, %eq3A : i32
      %jit3A_167 = arith.constant 1 : i32
      %select_n3A_168 = arith.select %eq3A_166, %jit3A_167, %jit3A_165 : i32
      %rem3A_169 = arith.remsi %select_n3A, %select_n3A_168 : i32
      %ne3A_170 = arith.constant 0 : i32
      %ne3A_171 = arith.cmpi ne, %rem3A_169, %ne3A_170 : i32
      %lt3A_172 = arith.constant 0 : i32
      %lt3A_173 = arith.cmpi slt, %rem3A_169, %lt3A_172 : i32
      %lt3A_174 = arith.constant 0 : i32
      %lt3A_175 = arith.cmpi slt, %select_n3A_168, %lt3A_174 : i32
      %ne3A_176 = arith.xori %lt3A_173, %lt3A_175 : i1
      %and3A_177 = arith.andi %ne3A_176, %ne3A_171 : i1
      %add3A_178 = arith.addi %rem3A_169, %select_n3A_168 : i32
      %select_n3A_179 = arith.select %and3A_177, %add3A_178, %rem3A_169 : i32
      %jit3A_180 = arith.constant 5 : i32
      %eq3A_181 = arith.constant 0 : i32
      %eq3A_182 = arith.cmpi eq, %jit3A_180, %eq3A_181 : i32
      %jit3A_183 = arith.constant 1 : i32
      %select_n3A_184 = arith.select %eq3A_182, %jit3A_183, %jit3A_180 : i32
      %rem3A_185 = arith.remsi %scan3A_139, %select_n3A_184 : i32
      %ne3A_186 = arith.constant 0 : i32
      %ne3A_187 = arith.cmpi ne, %rem3A_185, %ne3A_186 : i32
      %lt3A_188 = arith.constant 0 : i32
      %lt3A_189 = arith.cmpi slt, %rem3A_185, %lt3A_188 : i32
      %lt3A_190 = arith.constant 0 : i32
      %lt3A_191 = arith.cmpi slt, %select_n3A_184, %lt3A_190 : i32
      %ne3A_192 = arith.xori %lt3A_189, %lt3A_191 : i1
      %and3A_193 = arith.andi %ne3A_192, %ne3A_187 : i1
      %add3A_194 = arith.addi %rem3A_185, %select_n3A_184 : i32
      %select_n3A_195 = arith.select %and3A_193, %add3A_194, %rem3A_185 : i32
      %mul3A_196 = arith.constant 128 : i32
      %mul3A_197 = arith.muli %arg0, %mul3A_196 : i32
      %jit3A_198 = arith.constant 4 : i32
      %eq3A_199 = arith.constant 0 : i32
      %eq3A_200 = arith.cmpi eq, %jit3A_198, %eq3A_199 : i32
      %jit3A_201 = arith.constant 1 : i32
      %select_n3A_202 = arith.select %eq3A_200, %jit3A_201, %jit3A_198 : i32
      %rem3A_203 = arith.remsi %scan3A_139, %select_n3A_202 : i32
      %ne3A_204 = arith.constant 0 : i32
      %ne3A_205 = arith.cmpi ne, %rem3A_203, %ne3A_204 : i32
      %lt3A_206 = arith.constant 0 : i32
      %lt3A_207 = arith.cmpi slt, %rem3A_203, %lt3A_206 : i32
      %lt3A_208 = arith.constant 0 : i32
      %lt3A_209 = arith.cmpi slt, %select_n3A_202, %lt3A_208 : i32
      %ne3A_210 = arith.xori %lt3A_207, %lt3A_209 : i1
      %and3A_211 = arith.andi %ne3A_210, %ne3A_205 : i1
      %add3A_212 = arith.addi %rem3A_203, %select_n3A_202 : i32
      %select_n3A_213 = arith.select %and3A_211, %add3A_212, %rem3A_203 : i32
      %dma_wait3A_214 = arith.constant 0 : i32
      %dma_wait3A_215 = arith.constant 0 : i32
      %dma_wait3A_216 = arith.constant 0 : i32
      %dma_wait3A_217 = tpu.memref_slice %arg8[%select_n3A_213, %dma_wait3A_215, %dma_wait3A_216] : memref<4x80x128xf32, #tpu.memory_space<vmem>> -> memref<1x80x128xf32, #tpu.memory_space<vmem>>
      %dma_wait3A_218 = tpu.memref_squeeze %dma_wait3A_217 : memref<1x80x128xf32, #tpu.memory_space<vmem>> -> memref<80x128xf32, #tpu.memory_space<vmem>>
      %dma_wait3A_219 = arith.constant 0 : i32
      %dma_wait3A_220 = tpu.memref_slice %arg7[%select_n3A_179, %dma_wait3A_214, %select_n3A_195, %dma_wait3A_219] : memref<3x2x5x80xi32, #tpu.memory_space<vmem>> -> memref<1x1x1x80xi32, #tpu.memory_space<vmem>>
      %dma_wait3A_221 = tpu.memref_squeeze %dma_wait3A_220 : memref<1x1x1x80xi32, #tpu.memory_space<vmem>> -> memref<80xi32, #tpu.memory_space<vmem>>
      %dma_wait3A_222 = arith.constant 0 : i32
      %dma_wait3A_223 = tpu.memref_slice %arg2[%dma_wait3A_222, %mul3A_197] : memref<10000x256xf32, #tpu.memory_space<hbm>> -> memref<10000x128xf32, #tpu.memory_space<hbm>>
      tpu.wait_indirect_dma semaphore(%arg9 : memref<!tpu.dma_semaphore, #tpu.memory_space<semaphore_mem>>) src(%dma_wait3A_223 : memref<10000x128xf32, #tpu.memory_space<hbm>>) dst(%dma_wait3A_218 : memref<80x128xf32, #tpu.memory_space<vmem>>)
      %jit3A_224 = arith.constant 4 : i32
      %eq3A_225 = arith.constant 0 : i32
      %eq3A_226 = arith.cmpi eq, %jit3A_224, %eq3A_225 : i32
      %jit3A_227 = arith.constant 1 : i32
      %select_n3A_228 = arith.select %eq3A_226, %jit3A_227, %jit3A_224 : i32
      %rem3A_229 = arith.remsi %scan3A_139, %select_n3A_228 : i32
      %ne3A_230 = arith.constant 0 : i32
      %ne3A_231 = arith.cmpi ne, %rem3A_229, %ne3A_230 : i32
      %lt3A_232 = arith.constant 0 : i32
      %lt3A_233 = arith.cmpi slt, %rem3A_229, %lt3A_232 : i32
      %lt3A_234 = arith.constant 0 : i32
      %lt3A_235 = arith.cmpi slt, %select_n3A_228, %lt3A_234 : i32
      %ne3A_236 = arith.xori %lt3A_233, %lt3A_235 : i1
      %and3A_237 = arith.andi %ne3A_236, %ne3A_231 : i1
      %add3A_238 = arith.addi %rem3A_229, %select_n3A_228 : i32
      %select_n3A_239 = arith.select %and3A_237, %add3A_238, %rem3A_229 : i32
      %jit3A_240 = arith.constant 5 : i32
      %div3A_241 = arith.divsi %scan3A_139, %jit3A_240 : i32
      %sign3A_242 = arith.constant 0 : i32
      %sign3A_243 = arith.cmpi sgt, %scan3A_139, %sign3A_242 : i32
      %sign3A_244 = arith.extui %sign3A_243 : i1 to i32
      %sign3A_245 = arith.constant 0 : i32
      %sign3A_246 = arith.cmpi slt, %scan3A_139, %sign3A_245 : i32
      %sign3A_247 = arith.extui %sign3A_246 : i1 to i32
      %sign3A_248 = arith.subi %sign3A_244, %sign3A_247 : i32
      %sign3A_249 = arith.constant 0 : i32
      %sign3A_250 = arith.cmpi sgt, %jit3A_240, %sign3A_249 : i32
      %sign3A_251 = arith.extui %sign3A_250 : i1 to i32
      %sign3A_252 = arith.constant 0 : i32
      %sign3A_253 = arith.cmpi slt, %jit3A_240, %sign3A_252 : i32
      %sign3A_254 = arith.extui %sign3A_253 : i1 to i32
      %sign3A_255 = arith.subi %sign3A_251, %sign3A_254 : i32
      %ne3A_256 = arith.cmpi ne, %sign3A_248, %sign3A_255 : i32
      %rem3A_257 = arith.remsi %scan3A_139, %jit3A_240 : i32
      %ne3A_258 = arith.constant 0 : i32
      %ne3A_259 = arith.cmpi ne, %rem3A_257, %ne3A_258 : i32
      %and3A_260 = arith.andi %ne3A_256, %ne3A_259 : i1
      %sub3A_261 = arith.constant 1 : i32
      %sub3A_262 = arith.subi %div3A_241, %sub3A_261 : i32
      %select_n3A_263 = arith.select %and3A_260, %sub3A_262, %div3A_241 : i32
      %jit3A_264 = arith.constant 3 : i32
      %eq3A_265 = arith.constant 0 : i32
      %eq3A_266 = arith.cmpi eq, %jit3A_264, %eq3A_265 : i32
      %jit3A_267 = arith.constant 1 : i32
      %select_n3A_268 = arith.select %eq3A_266, %jit3A_267, %jit3A_264 : i32
      %rem3A_269 = arith.remsi %select_n3A_263, %select_n3A_268 : i32
      %ne3A_270 = arith.constant 0 : i32
      %ne3A_271 = arith.cmpi ne, %rem3A_269, %ne3A_270 : i32
      %lt3A_272 = arith.constant 0 : i32
      %lt3A_273 = arith.cmpi slt, %rem3A_269, %lt3A_272 : i32
      %lt3A_274 = arith.constant 0 : i32
      %lt3A_275 = arith.cmpi slt, %select_n3A_268, %lt3A_274 : i32
      %ne3A_276 = arith.xori %lt3A_273, %lt3A_275 : i1
      %and3A_277 = arith.andi %ne3A_276, %ne3A_271 : i1
      %add3A_278 = arith.addi %rem3A_269, %select_n3A_268 : i32
      %select_n3A_279 = arith.select %and3A_277, %add3A_278, %rem3A_269 : i32
      %jit3A_280 = arith.constant 5 : i32
      %eq3A_281 = arith.constant 0 : i32
      %eq3A_282 = arith.cmpi eq, %jit3A_280, %eq3A_281 : i32
      %jit3A_283 = arith.constant 1 : i32
      %select_n3A_284 = arith.select %eq3A_282, %jit3A_283, %jit3A_280 : i32
      %rem3A_285 = arith.remsi %scan3A_139, %select_n3A_284 : i32
      %ne3A_286 = arith.constant 0 : i32
      %ne3A_287 = arith.cmpi ne, %rem3A_285, %ne3A_286 : i32
      %lt3A_288 = arith.constant 0 : i32
      %lt3A_289 = arith.cmpi slt, %rem3A_285, %lt3A_288 : i32
      %lt3A_290 = arith.constant 0 : i32
      %lt3A_291 = arith.cmpi slt, %select_n3A_284, %lt3A_290 : i32
      %ne3A_292 = arith.xori %lt3A_289, %lt3A_291 : i1
      %and3A_293 = arith.andi %ne3A_292, %ne3A_287 : i1
      %add3A_294 = arith.addi %rem3A_285, %select_n3A_284 : i32
      %select_n3A_295 = arith.select %and3A_293, %add3A_294, %rem3A_285 : i32
      %dma_start3A_296 = arith.constant 1 : i32
      %dma_start3A_297 = arith.constant 0 : i32
      %dma_start3A_298 = arith.constant 0 : i32
      %dma_start3A_299 = tpu.memref_slice %arg8[%select_n3A_239, %dma_start3A_297, %dma_start3A_298] : memref<4x80x128xf32, #tpu.memory_space<vmem>> -> memref<1x80x128xf32, #tpu.memory_space<vmem>>
      %dma_start3A_300 = tpu.memref_squeeze %dma_start3A_299 : memref<1x80x128xf32, #tpu.memory_space<vmem>> -> memref<80x128xf32, #tpu.memory_space<vmem>>
      %dma_start3A_301 = arith.constant 0 : i32
      %dma_start3A_302 = tpu.memref_slice %arg7[%select_n3A_279, %dma_start3A_296, %select_n3A_295, %dma_start3A_301] : memref<3x2x5x80xi32, #tpu.memory_space<vmem>> -> memref<1x1x1x80xi32, #tpu.memory_space<vmem>>
      %dma_start3A_303 = tpu.memref_squeeze %dma_start3A_302 : memref<1x1x1x80xi32, #tpu.memory_space<vmem>> -> memref<80xi32, #tpu.memory_space<vmem>>
      %dma_start3A_304 = arith.constant 0 : i32
      %dma_start3A_305 = arith.constant 0 : i32
      %dma_start3A_306 = tpu.memref_slice %arg6[%dma_start3A_304, %dma_start3A_305] : memref<10000x128xf32, #tpu.memory_space<vmem_shared>> -> memref<10000x128xf32, #tpu.memory_space<vmem_shared>>
      tpu.enqueue_indirect_dma source(%dma_start3A_300 : memref<80x128xf32, #tpu.memory_space<vmem>>) target(%dma_start3A_306 : memref<10000x128xf32, #tpu.memory_space<vmem_shared>>) offsets(%dma_start3A_303 : memref<80xi32, #tpu.memory_space<vmem>>) semaphore(%arg10 : memref<!tpu.dma_semaphore, #tpu.memory_space<semaphore_mem>>) {add = true}
      %scan3A_307 = arith.constant 0 : i32
      scf.yield %scan3A_307 : i32
    }
    %scan3A_109 = arith.constant 125 : i32
    %dma_wait3A_110 = arith.constant 3 : i32
    %dma_wait3A_111 = arith.constant 0 : i32
    %dma_wait3A_112 = arith.constant 1 : i32
    %dma_wait3A_113 = arith.constant 3 : i32
    %dma_wait3A_114 = arith.constant 0 : i32
    %dma_wait3A_115 = arith.constant 0 : i32
    %dma_wait3A_116 = tpu.memref_slice %arg8[%dma_wait3A_110, %dma_wait3A_114, %dma_wait3A_115] : memref<4x80x128xf32, #tpu.memory_space<vmem>> -> memref<1x80x128xf32, #tpu.memory_space<vmem>>
    %dma_wait3A_117 = tpu.memref_squeeze %dma_wait3A_116 : memref<1x80x128xf32, #tpu.memory_space<vmem>> -> memref<80x128xf32, #tpu.memory_space<vmem>>
    %dma_wait3A_118 = arith.constant 0 : i32
    %dma_wait3A_119 = tpu.memref_slice %arg7[%dma_wait3A_111, %dma_wait3A_112, %dma_wait3A_113, %dma_wait3A_118] : memref<3x2x5x80xi32, #tpu.memory_space<vmem>> -> memref<1x1x1x80xi32, #tpu.memory_space<vmem>>
    %dma_wait3A_120 = tpu.memref_squeeze %dma_wait3A_119 : memref<1x1x1x80xi32, #tpu.memory_space<vmem>> -> memref<80xi32, #tpu.memory_space<vmem>>
    %dma_wait3A_121 = arith.constant 0 : i32
    %dma_wait3A_122 = arith.constant 0 : i32
    %dma_wait3A_123 = tpu.memref_slice %arg6[%dma_wait3A_121, %dma_wait3A_122] : memref<10000x128xf32, #tpu.memory_space<vmem_shared>> -> memref<10000x128xf32, #tpu.memory_space<vmem_shared>>
    tpu.wait_indirect_dma semaphore(%arg10 : memref<!tpu.dma_semaphore, #tpu.memory_space<semaphore_mem>>) src(%dma_wait3A_117 : memref<80x128xf32, #tpu.memory_space<vmem>>) dst(%dma_wait3A_123 : memref<10000x128xf32, #tpu.memory_space<vmem_shared>>)
    %dma_wait3A_124 = arith.constant 0 : i32
    %dma_wait3A_125 = arith.constant 0 : i32
    %dma_wait3A_126 = arith.constant 1 : i32
    %dma_wait3A_127 = arith.constant 4 : i32
    %dma_wait3A_128 = arith.constant 0 : i32
    %dma_wait3A_129 = arith.constant 0 : i32
    %dma_wait3A_130 = tpu.memref_slice %arg8[%dma_wait3A_124, %dma_wait3A_128, %dma_wait3A_129] : memref<4x80x128xf32, #tpu.memory_space<vmem>> -> memref<1x80x128xf32, #tpu.memory_space<vmem>>
    %dma_wait3A_131 = tpu.memref_squeeze %dma_wait3A_130 : memref<1x80x128xf32, #tpu.memory_space<vmem>> -> memref<80x128xf32, #tpu.memory_space<vmem>>
    %dma_wait3A_132 = arith.constant 0 : i32
    %dma_wait3A_133 = tpu.memref_slice %arg7[%dma_wait3A_125, %dma_wait3A_126, %dma_wait3A_127, %dma_wait3A_132] : memref<3x2x5x80xi32, #tpu.memory_space<vmem>> -> memref<1x1x1x80xi32, #tpu.memory_space<vmem>>
    %dma_wait3A_134 = tpu.memref_squeeze %dma_wait3A_133 : memref<1x1x1x80xi32, #tpu.memory_space<vmem>> -> memref<80xi32, #tpu.memory_space<vmem>>
    %dma_wait3A_135 = arith.constant 0 : i32
    %dma_wait3A_136 = arith.constant 0 : i32
    %dma_wait3A_137 = tpu.memref_slice %arg6[%dma_wait3A_135, %dma_wait3A_136] : memref<10000x128xf32, #tpu.memory_space<vmem_shared>> -> memref<10000x128xf32, #tpu.memory_space<vmem_shared>>
    tpu.wait_indirect_dma semaphore(%arg10 : memref<!tpu.dma_semaphore, #tpu.memory_space<semaphore_mem>>) src(%dma_wait3A_131 : memref<80x128xf32, #tpu.memory_space<vmem>>) dst(%dma_wait3A_137 : memref<10000x128xf32, #tpu.memory_space<vmem_shared>>)
    %barrier3A_138 = arith.constant 0 : index
    tpu.barrier barrier_id(%barrier3A_138)
    "tpu.region"() ({
      %run_scoped3A = tpu.sem_alloc : memref<!tpu.dma_semaphore, #tpu.memory_space<semaphore_mem>>
      %dma_start3A_139 = arith.constant 0 : i32
      %dma_start3A_140 = arith.constant 0 : i32
      %dma_start3A_141 = tpu.memref_slice %arg5[%arg0, %dma_start3A_139, %dma_start3A_140] : memref<2x10000x128xf32, #tpu.memory_space<hbm>> -> memref<1x10000x128xf32, #tpu.memory_space<hbm>>
      %dma_start3A_142 = tpu.memref_squeeze %dma_start3A_141 : memref<1x10000x128xf32, #tpu.memory_space<hbm>> -> memref<10000x128xf32, #tpu.memory_space<hbm>>
      %dma_start3A_143 = arith.constant 0 : i32
      %dma_start3A_144 = tpu.memref_slice %dma_start3A_142[%multiple_of3A, %dma_start3A_143] : memref<10000x128xf32, #tpu.memory_space<hbm>> -> memref<632x128xf32, #tpu.memory_space<hbm>>
      %dma_start3A_145 = arith.constant 0 : i32
      %dma_start3A_146 = tpu.memref_slice %arg6[%multiple_of3A, %dma_start3A_145] : memref<10000x128xf32, #tpu.memory_space<vmem_shared>> -> memref<632x128xf32, #tpu.memory_space<vmem_shared>>
      tpu.enqueue_dma source(%dma_start3A_146 : memref<632x128xf32, #tpu.memory_space<vmem_shared>>) target(%dma_start3A_144 : memref<632x128xf32, #tpu.memory_space<hbm>>) target_semaphore(%run_scoped3A : memref<!tpu.dma_semaphore, #tpu.memory_space<semaphore_mem>>)
      %dma_wait3A_147 = arith.constant 0 : i32
      %dma_wait3A_148 = arith.constant 0 : i32
      %dma_wait3A_149 = tpu.memref_slice %arg5[%arg0, %dma_wait3A_147, %dma_wait3A_148] : memref<2x10000x128xf32, #tpu.memory_space<hbm>> -> memref<1x10000x128xf32, #tpu.memory_space<hbm>>
      %dma_wait3A_150 = tpu.memref_squeeze %dma_wait3A_149 : memref<1x10000x128xf32, #tpu.memory_space<hbm>> -> memref<10000x128xf32, #tpu.memory_space<hbm>>
      %dma_wait3A_151 = arith.constant 0 : i32
      %dma_wait3A_152 = tpu.memref_slice %dma_wait3A_150[%multiple_of3A, %dma_wait3A_151] : memref<10000x128xf32, #tpu.memory_space<hbm>> -> memref<632x128xf32, #tpu.memory_space<hbm>>
      %dma_wait3A_153 = arith.constant 0 : i32
      %dma_wait3A_154 = tpu.memref_slice %arg6[%multiple_of3A, %dma_wait3A_153] : memref<10000x128xf32, #tpu.memory_space<vmem_shared>> -> memref<632x128xf32, #tpu.memory_space<vmem_shared>>
      tpu.wait_dma2 semaphore(%run_scoped3A : memref<!tpu.dma_semaphore, #tpu.memory_space<semaphore_mem>>) src(%dma_wait3A_154 : memref<632x128xf32, #tpu.memory_space<vmem_shared>>) dst(%dma_wait3A_152 : memref<632x128xf32, #tpu.memory_space<hbm>>)
      tpu.yield
    }) : () -> ()
    return
  }
}

module attributes {stable_mosaic.version = 14 : i64} {
  func.func @mm(%arg0: i32, %arg1: memref<2x2000x128xf32, #tpu.memory_space<vmem>>, %arg2: memref<256x256xf32, #tpu.memory_space<vmem>>, %arg3: memref<1x256xf32, #tpu.memory_space<vmem>>, %arg4: memref<2000x256xf32, #tpu.memory_space<vmem>>) attributes {dimension_semantics = [#tpu.dimension_semantics<arbitrary>], iteration_bounds = array<i64: 5>, scalar_prefetch = 0 : i64, scratch_operands = 0 : i64, tpu.core_type = #tpu.core_type<tc>, window_params = [{transform_indices = @transform_0, window_bounds = array<i64: 2, 2000, 128>}, {pipeline_mode = #tpu.pipeline_mode<synchronous>, transform_indices = @transform_1, window_bounds = array<i64: 256, 256>}, {pipeline_mode = #tpu.pipeline_mode<synchronous>, transform_indices = @transform_2, window_bounds = array<i64: 1, 256>}, {transform_indices = @transform_3, window_bounds = array<i64: 2000, 256>}]} {
    %get3A = arith.constant 0 : index
    %get3A_0 = arith.constant 0 : index
    %get3A_1 = arith.constant 0 : index
    %get3A_2 = vector.load %arg1[%get3A, %get3A_0, %get3A_1] : memref<2x2000x128xf32, #tpu.memory_space<vmem>>, vector<1x2000x128xf32>
    %get3A_3 = vector.shape_cast %get3A_2 : vector<1x2000x128xf32> to vector<2000x128xf32>
    %get3A_4 = arith.constant 0 : index
    %get3A_5 = arith.constant 0 : index
    %get3A_6 = vector.load %arg2[%get3A_4, %get3A_5] : memref<256x256xf32, #tpu.memory_space<vmem>>, vector<256x128xf32>
    %dot_general3A = arith.constant dense<0.000000e+00> : vector<2000x256xf32>
    %dot_general3A_7 = tpu.matmul %get3A_3, %get3A_6, %dot_general3A {dimension_numbers = #tpu.dot_dimension_numbers<[1], [1], [0], [0], [0, 0, 1, 0], [], []>, transpose_lhs_hint = false} : vector<2000x128xf32>, vector<256x128xf32>, vector<2000x256xf32> -> vector<2000x256xf32>
    %get3A_8 = arith.constant 1 : index
    %get3A_9 = arith.constant 0 : index
    %get3A_10 = arith.constant 0 : index
    %get3A_11 = vector.load %arg1[%get3A_8, %get3A_9, %get3A_10] : memref<2x2000x128xf32, #tpu.memory_space<vmem>>, vector<1x2000x128xf32>
    %get3A_12 = vector.shape_cast %get3A_11 : vector<1x2000x128xf32> to vector<2000x128xf32>
    %get3A_13 = arith.constant 0 : index
    %get3A_14 = arith.constant 128 : index
    %get3A_15 = vector.load %arg2[%get3A_13, %get3A_14] : memref<256x256xf32, #tpu.memory_space<vmem>>, vector<256x128xf32>
    %dot_general3A_16 = arith.constant dense<0.000000e+00> : vector<2000x256xf32>
    %dot_general3A_17 = tpu.matmul %get3A_12, %get3A_15, %dot_general3A_16 {dimension_numbers = #tpu.dot_dimension_numbers<[1], [1], [0], [0], [0, 0, 1, 0], [], []>, transpose_lhs_hint = false} : vector<2000x128xf32>, vector<256x128xf32>, vector<2000x256xf32> -> vector<2000x256xf32>
    %add3A = arith.addf %dot_general3A_7, %dot_general3A_17 : vector<2000x256xf32>
    %get3A_18 = arith.constant 0 : index
    %get3A_19 = arith.constant 0 : index
    %get3A_20 = vector.load %arg3[%get3A_18, %get3A_19] : memref<1x256xf32, #tpu.memory_space<vmem>>, vector<1x256xf32>
    %add3A_21 = vector.broadcast %get3A_20 : vector<1x256xf32> to vector<2000x256xf32>
    %add3A_22 = arith.addf %add3A, %add3A_21 : vector<2000x256xf32>
    %swap3A = arith.constant 0 : index
    %swap3A_23 = arith.constant 0 : index
    %swap3A_24 = vector.load %arg4[%swap3A, %swap3A_23] : memref<2000x256xf32, #tpu.memory_space<vmem>>, vector<2000x256xf32>
    tpu.vector_store %arg4[%swap3A, %swap3A_23], %add3A_22 {strides = array<i32>} : memref<2000x256xf32, #tpu.memory_space<vmem>>, vector<2000x256xf32>,
    return
  }
  func.func @transform_0(%arg0: i32) -> (i32, i32, i32) {
    %c0_i32 = arith.constant 0 : i32
    %c0_i32_0 = arith.constant 0 : i32
    %c0_i32_1 = arith.constant 0 : i32
    return %c0_i32, %arg0, %c0_i32_0 : i32, i32, i32
  }
  func.func @transform_1(%arg0: i32) -> (i32, i32) {
    %c0_i32 = arith.constant 0 : i32
    %c0_i32_0 = arith.constant 0 : i32
    %c0_i32_1 = arith.constant 0 : i32
    return %c0_i32, %c0_i32_0 : i32, i32
  }
  func.func @transform_2(%arg0: i32) -> (i32, i32) {
    %c0_i32 = arith.constant 0 : i32
    %c0_i32_0 = arith.constant 0 : i32
    %c0_i32_1 = arith.constant 0 : i32
    return %c0_i32, %c0_i32_0 : i32, i32
  }
  func.func @transform_3(%arg0: i32) -> (i32, i32) {
    %c0_i32 = arith.constant 0 : i32
    %c0_i32_0 = arith.constant 0 : i32
    return %arg0, %c0_i32 : i32, i32
  }
}

</mosaic_0001>

<sc_bundles>
// kernel: kernel.4.cloned.1.call-start
scs
__scs_entry_jumppad:
0x0: {  	(pc) =	sbr.rel $0x88, $3  }
0x1: {  	(tag) =	ssettag $0x0;
	lr =	simm.s32 $0x1  }
0x2: {  	[smem:$0x3F9D] =	sst lr;
	_ =	strace $0xD0000000  }
0x3: {  	_ = 	snop  }
0x4: {  	_ = 	snop  }
0x5: {  	_ = 	snop  }
0x6: {  	_ = 	snop  }
0x7: {  	_ = 	snop  }
__scs_overlays_trampoline_lowered:
0x8: {  	[smem:$0x3FAC] =	sst s0  }
0x9: {  	[smem:$0x3FAD] =	sst s1  }
0xa: {  	[smem:$0x3FAE] =	sst s2  }
0xb: {  	[smem:$0x3FAF] =	sst s3  }
0xc: {  	[smem:$0x3FB0] =	sst s4  }
0xd: {  	[smem:$0x3FB1] =	sst s5  }
0xe: {  	[smem:$0x3FB2] =	sst s6  }
0xf: {  	[smem:$0x3FB3] =	sst s7  }
0x10: {  	[smem:$0x3FB4] =	sst s8  }
0x11: {  	[smem:$0x3FB5] =	sst s9;
	s0 =	simm.s32 @!p0 $0x0  }
0x12: {  	s1 =	sld [smem:$0x3F9B];
	s0 =	simm.s32 @p0 $0x1  }
0x13: {  	[smem:$0x3FB6] =	sst s0;
	s0 =	simm.s32 @!p1 $0x0  }
0x14: {  	s2 =	sld [smem:$0x3F9A];
	s0 =	simm.s32 @p1 $0x1  }
0x15: {  	[smem:$0x3FB7] =	sst s0;
	s0 =	simm.s32 @!p2 $0x0  }
0x16: {  	s3 =	sld [smem:$0x3FDB];
	s0 =	simm.s32 @p2 $0x1  }
0x17: {  	s4 =	simm.s32 $0x1BF5;
	[smem:$0x3FB9] =	sst s0  }
0x18: {  	s0 =	sld [smem:$0x3F9C];
	_ =	swait.ge [sflag:s4], $0x0  }
0x19: {  	s7 =	sld [smem:$0x3F9D]  }
0x1a: {  	s8 =	sadd.s32 $0xFFFFE003, lr  }
0x1b: {  	s9 =	sadd.s32 $0xFFFFFEF7, lr;
	s5 =	simm.s32 $0xFFFFFFFF;
	p2 =	slt.u32 s8, $0xFFFFF086  }
0x1c: {  	p1 =	slt.u32 s9, $0xF7A;
	s5 =	simm.s32 @!p2 $0x0  }
0x1d: {  	s5 =	simm.s32 @p1 $0x1;
	p0 =	seq.s32 s7, s2  }
0x1e: {  	s7 =	smul.u32 @!p0 $0xF7A, s2;
	p2 =	seq.s32 @!p0 s5, $0x0  }
0x1f: {  	s9 =	smul.u32 $0xF7A, s1;
	s8 =	simm.s32 @!p0 $0x1BF5;
	p2 =	por !p2, p0  }
0x20: {  	[sflag:s8] =	ssyncset.s32 @!p0 $0xFFFFF086;
	s6 =	sadd.s32 @!p0 s3, s7;
	s7 =	simm.s32 @!p0 $0x108  }
0x21: {  	s3 =	sadd.s32 s3, s9;
	s6 =	sadd.s32 @!p0 $0x88, s6;
	s7 =	simm.s32 @p2 $0x1082  }
0x22: {  	[simem:s7], [sflag:s8] =	dma.local @!p0 [hbm:s6], $0xF7A  }
0x23: {  	s9 =	sor.u32 $0xD0000000, s2;
	s6 =	simm.s32 $0x108;
	_ =	swait.ge @!p0 [sflag:s8], $0x0  }
0x24: {  	s3 =	sadd.s32 $0x88, s3;
	s6 =	simm.s32 @!p1 $0x1082;
	[sflag:s4] =	ssyncset.s32 $0xFFFFF086  }
0x25: {  	[simem:s6], [sflag:s4] =	dma.local [hbm:s3], $0xF7A  }
0x26: {  	[smem:$0x3F9D] =	sst s1;
	(tag) =	ssettag s2;
	_ =	strace s9  }
0x27: {  	s1 =	sld [smem:$0x3FAD]  }
0x28: {  	s2 =	sld [smem:$0x3FAE]  }
0x29: {  	s4 =	sld [smem:$0x3FB0]  }
0x2a: {  	p0 =	seq.s32 s5, $0x0;
	s5 =	sld [smem:$0x3FB1]  }
0x2b: {  	s6 =	sld [smem:$0x3FB2]  }
0x2c: {  	s7 =	sld [smem:$0x3FB3]  }
0x2d: {  	s3 =	simm.s32 $0x108;
	s8 =	sld [smem:$0x3FB4]  }
0x2e: {  	s3 =	simm.s32 @!p0 $0x1082;
	s9 =	sld [smem:$0x3FB5]  }
0x2f: {  	lr =	sadd.s32 s0, s3;
	s0 =	sld [smem:$0x3FAC]  }
0x30: {  	s3 =	sld [smem:$0x3FAF]  }
0x31: {  	[smem:$0x3FB8] =	sst s10  }
0x32: {  	s10 =	sld [smem:$0x3FB6];
	_ =	sdelay $0x3  }
0x33: {  	p0 =	seq.s32 s10, $0x1;
	s10 =	sld [smem:$0x3FB8];
	_ =	sdelay $0x3  }
0x34: {  	[smem:$0x3FB8] =	sst s10  }
0x35: {  	s10 =	sld [smem:$0x3FB7];
	_ =	sdelay $0x3  }
0x36: {  	p1 =	seq.s32 s10, $0x1;
	s10 =	sld [smem:$0x3FB8];
	_ =	sdelay $0x3  }
0x37: {  	[smem:$0x3FB8] =	sst s10  }
0x38: {  	s10 =	sld [smem:$0x3FB9]  }
0x39: {  	_ = 	snop;
	(pc) =	sbr.ind lr, $3  }
0x3a: {  	_ = 	snop  }
0x3b: {  	_ = 	snop  }
0x3c: {  	p2 =	seq.s32 s10, $0x1;
	s10 =	sld [smem:$0x3FB8]  }
0x3d: {  	_ =	shalt  }
0x3e: {  	_ =	shalt  }
0x3f: {  	_ =	shalt  }
0x40: {  	_ =	shalt  }
0x41: {  	_ =	shalt  }
0x42: {  	_ =	shalt  }
0x43: {  	_ =	shalt  }
0x44: {  	_ =	shalt  }
0x45: {  	_ =	shalt  }
0x46: {  	_ =	shalt  }
0x47: {  	_ =	shalt  }
0x48: {  	_ =	shalt  }
0x49: {  	_ =	shalt  }
0x4a: {  	_ =	shalt  }
0x4b: {  	_ =	shalt  }
0x4c: {  	_ =	shalt  }
0x4d: {  	_ =	shalt  }
0x4e: {  	_ =	shalt  }
0x4f: {  	_ =	shalt  }
0x50: {  	_ =	shalt  }
0x51: {  	_ =	shalt  }
0x52: {  	_ =	shalt  }
0x53: {  	_ =	shalt  }
0x54: {  	_ =	shalt  }
0x55: {  	_ =	shalt  }
0x56: {  	_ =	shalt  }
0x57: {  	_ =	shalt  }
0x58: {  	_ =	shalt  }
0x59: {  	_ =	shalt  }
0x5a: {  	_ =	shalt  }
0x5b: {  	_ =	shalt  }
0x5c: {  	_ =	shalt  }
0x5d: {  	_ =	shalt  }
0x5e: {  	_ =	shalt  }
0x5f: {  	_ =	shalt  }
0x60: {  	_ =	shalt  }
0x61: {  	_ =	shalt  }
0x62: {  	_ =	shalt  }
0x63: {  	_ =	shalt  }
0x64: {  	_ =	shalt  }
0x65: {  	_ =	shalt  }
0x66: {  	_ =	shalt  }
0x67: {  	_ =	shalt  }
0x68: {  	_ =	shalt  }
0x69: {  	_ =	shalt  }
0x6a: {  	_ =	shalt  }
0x6b: {  	_ =	shalt  }
0x6c: {  	_ =	shalt  }
0x6d: {  	_ =	shalt  }
0x6e: {  	_ =	shalt  }
0x6f: {  	_ =	shalt  }
0x70: {  	_ =	shalt  }
0x71: {  	_ =	shalt  }
0x72: {  	_ =	shalt  }
0x73: {  	_ =	shalt  }
0x74: {  	_ =	shalt  }
0x75: {  	_ =	shalt  }
0x76: {  	_ =	shalt  }
0x77: {  	_ =	shalt  }
0x78: {  	_ =	shalt  }
0x79: {  	_ =	shalt  }
0x7a: {  	_ =	shalt  }
0x7b: {  	_ =	shalt  }
0x7c: {  	_ =	shalt  }
0x7d: {  	_ =	shalt  }
0x7e: {  	_ =	shalt  }
0x7f: {  	_ =	shalt  }
0x80: {  	_ =	shalt  }
0x81: {  	_ =	shalt  }
0x82: {  	_ =	shalt  }
0x83: {  	_ =	shalt  }
0x84: {  	_ =	shalt  }
0x85: {  	_ =	shalt  }
0x86: {  	_ =	shalt  }
0x87: {  	_ =	shalt  }
.Lfunc_end0:
.L_simem_size_0:
called_computation_lowered:
.L_overlay_start_0:
0x88: {  	s2 =	sld [smem:$0x3FD9]  }
0x89: {  	s3 =	sld [smem:$0x3FFE];
	_ =	sdelay $0x1  }
0x8a: {  	s1 =	srdreg.scid  }
0x8b: {  	s0 =	sand.u32 $0x1, s1  }
0x8c: {  	s17 =	sshll.u32 s0, $0xA;
	s2 =	sadd.s32 s3, s2  }
0x8d: {  	s2 =	sadd.s32 s2, s17  }
0x8e: {  	[smem:$0x3FC4] =	sst s2  }
0x8f: {  	_ = 	snop  }
0x90: {  	s2 =	sld [smem:$0x3FC9]  }
0x91: {  	s18 =	sld [smem:$0x3FD0];
	(tm) =	ssettm $0x1  }
0x92: {  	s4 =	sld [smem:$0x3FFB];
	_ =	sdelay $0x3  }
0x93: {  	_ =	strace s4  }
0x94: {  	s4 =	sld [smem:$0x3FFC];
	_ =	sdelay $0x3  }
0x95: {  	_ =	strace s4  }
0x96: {  	s4 =	sld [smem:$0x3FFD];
	_ =	sdelay $0x3  }
0x97: {  	_ =	strace s4  }
0x98: {  	_ =	strace $0x8FFFFFFF  }
0x99: {  	s19 =	sld [smem:$0x3FDB];
	_ =	sdelay $0x1  }
0x9a: {  	s5 =	simm.s32 $_scs_section_size  }
0x9b: {  	s6 =	simm.s32 $_size__tile_overlayer_lowered;
	s7 =	simm.s32 $_tile_overlayer_lowered  }
0x9c: {  	s22 =	simm.s32 $0x1BFF;
	s21 =	sshll.u32 s7, $0x1;
	s4 =	sadd.s32 s5, s19  }
0x9d: {  	s8 =	simm.s32 $0x0;
	s20 =	sshll.u32 s6, $0x1;
	s6 =	sadd.s32 s21, s4  }
0x9e: {  	[timem:s8], [sflag:s22] =	dma.local [hbm:s6], s20  }
0x9f: {  	_ =	swait.ge [sflag:s22], s20  }
0xa0: {  	s5 =	ssub.s32 $0x0, s20;
	[sflag:s22] =	ssyncset.done $0x0  }
0xa1: {  	[sflag:s22] =	ssyncadd.s32 s5;
	_ =	sdelay $0x1  }
0xa2: {  	s23 =	simm.s32 $0x1B8B  }
0xa3: {  	_ =	swait.ge [sflag:s23], $0x1  }
0xa4: {  	[sflag:s23] =	ssyncset.done $0x0  }
0xa5: {  	s25 =	simm.s32 $0x1B8E;
	s24 =	sld [smem:$0x3FFE];
	[sflag:s23] =	ssyncadd.s32 $0xFFFFFFFF  }
0xa6: {  	s26 =	simm.s32 $execute0_lowered;
	[smem:$0x3FD2] =	sst s25  }
0xa7: {  	s6 =	sshll.u32 s26, $0x1;
	_ =	strace $0x80000046;
	[dreg:$0x1] =	wrdreg $0xFFFFFFFF  }
0xa8: {  	s28 =	simm.s32 $_size_execute0_lowered;
	s4 =	sadd.s32 s4, s6;
	[dreg:$0x0] =	wrdreg $0x0  }
0xa9: {  	s6 =	sshll.u32 s28, $0x1;
	[dreg:$0x2] =	wrdreg s4  }
0xaa: {  	[dreg:$0x3] =	wrdreg s6  }
0xab: {  	[dreg:$0x4] =	wrdreg $0xC0  }
0xac: {  	_ =	task [dreg:s8], $0x5FFFF  }
0xad: {  	[dreg:$0x1] =	wrdreg $0xFFFFFFFF  }
0xae: {  	[dreg:$0x0] =	wrdreg $0x60  }
0xaf: {  	[dreg:$0x2] =	wrdreg s2  }
0xb0: {  	[dreg:$0x3] =	wrdreg s24  }
0xb1: {  	[dreg:$0x4] =	wrdreg s18  }
0xb2: {  	[dreg:$0x5] =	wrdreg $0x0  }
0xb3: {  	[dreg:$0x6] =	wrdreg $0x9  }
0xb4: {  	_ =	task.clear_ibuf [dreg:s8], $0x7FFFF;
	_ =	strace $0x90000046  }
0xb5: {  	s29 =	simm.s32 $0x9;
	_ =	strace $0x80000048  }
0xb6: {  	_ =	swait.ge [sflag:s29], $0x1  }
0xb7: {  	[sflag:s29] =	ssyncadd.s32 $0xFFFFFFFF  }
0xb8: {  	_ =	strace $0x90000048  }
0xb9: {  	_ =	sfence  }
0xba: {  	s30 =	sld [smem:$0x0];
	_ =	sdelay $0x2  }
0xbb: {  	s31 =	sshll.u32 s1, $0xD;
	s1 =	sshrl.u32 s1, $0x2  }
0xbc: {  	s3 =	sand.u32 $0x4000, s31;
	s1 =	sadd.s32 s1, s30  }
0xbd: {  	s0 =	sor.u32 s3, s0;
	s1 =	sshll.u32 s1, $0x11  }
0xbe: {  	s0 =	sor.u32 s1, s0  }
0xbf: {  	s0 =	sadd.s32 $0x8F2B, s0  }
0xc0: {  	[sflag:s0] =	ssyncadd.remote.s32 $0x1  }
0xc1: {  	_ =	sfence.sel $0xFFFF  }
0xc2: {  	[dreg:$0x0] =	wrdreg $0xFFFFFFFF;
	(pc) =	sbr.abs _section_cstart, $3  }
0xc3: {  	[dreg:$0x1] =	wrdreg $0xFFFFFFFF  }
0xc4: {  	_ =	task.clear_ibuf [dreg:s8], $0x2FFFF;
	_ =	strace $0x9FFFFFFF  }
0xc5: {  	(tm) =	ssettm $0x7FFFFFFF  }
tec
execute0_lowered:
.L_overlay_start_1:
0x0: {  	(tag) =	ssettag $0x1  }
0x1: {  	s0 =	rddreg [dreg:$0x0]  }
0x2: {  	s2 =	rddreg [dreg:$0x1]  }
0x3: {  	s11 =	rddreg [dreg:$0x2]  }
0x4: {  	s1 =	rddreg [dreg:$0x3];
	s3 =	simm.s32 $0x0  }
0x5: {  	s4 =	srdreg.scid;
	s5 =	stileid.u32;
	s14 =	simm.s32 $0x3  }
0x6: {  	s17 =	simm.s32 $0x1;
	s18 =	simm.s32 $0x50;
	s19 =	simm.s32 $0x2  }
0x7: {  	s20 =	simm.s32 $0x0;
	[smem:$0x7FF] =	sst s3;
	s7 =	smul.u32 $0x1900, s5  }
0x8: {  	s9 =	sand.u32 $0x1, s4;
	s4 =	sadd.s32 $0xA00, s2;
	s10 =	smul.u32 $0xC800, s5  }
0x9: {  	s2 =	sadd.s32 $0x19A00, s2;
	s26 =	smul.u32 $0x278, s5;
	_ =	strace $0x80000047  }
0xa: {  	s6 =	ssub.s32 $0x2, s9;
	[dreg:$0x5] =	wrdreg s2;
	s13 =	smul.u32 $0x27100, s9  }
0xb: {  	v0 =	vimm.s32 $0x7;
	s9 =	sshll.u32 s9, $0x7;
	s2 =	simm.s32 $0x4;
	s8 =	sshrl.u32 s6, $0x1  }
0xc: {  	v1 =	vimm.s32 $0x1;
	v2 =	vimm.s32 $0x0;
	v3 =	vlaneseq.u32;
	s7 =	sadd.s32 s4, s7;
	s10 =	sshrl.u32 s10, $0x3;
	s12 =	smin.u32 s26, $0x2498  }
.Ltmp0:
0xd: {  	vm0 =	vmmov $0x1;
	v4 =	vimm.s32 $0x2;
	v5 =	vimm.s32 $0x3;
	s9 =	sadd.s32 s0, s9;
	s25 =	ssub.s32 s6, s8;
	(pc) =	sbr.rel .LBB2_1-.Ltmp0, $4  }
0xe: {  	v6 =	vimm.s32 $0x4;
	v7 =	vimm.s32 $0x5;
	v8 =	vimm.s32 $0x6;
	s6 =	smul.u32 $0x19, s5;
	s10 =	sadd.s32 s4, s10;
	s28 =	sshll.u32 s12, $0x7  }
0xf: {  	v9 =	vimm.s32 $0x8;
	v10 =	vimm.s32 $0x9;
	v11 =	vimm.s32 $0xA;
	s30 =	sadd.s32 s11, s13;
	s31 =	sshll.u32 s12, $0x4;
	s12 =	sadd.s32 $0x80, s7  }
0x10: {  	v12 =	vimm.s32 $0xB;
	v13 =	vimm.s32 $0xC;
	v14 =	vimm.s32 $0xD;
	s8 =	sadd.s32 $0x100, s10;
	s29 =	sadd.s32 s28, s1;
	s11 =	smax.u32 s25, $0x1  }
0x11: {  	v15 =	vimm.s32 $0xE;
	v16 =	vimm.s32 $0xF;
	v3 =	vmul.u32 $0x8, v3;
	s24 =	sadd.s32 s31, s30;
	[dreg:$0x6] =	wrdreg s29;
	s16 =	sadd.s32 $0x80, s8  }
.LBB2_5:
0x12: {  	_ =	swait.ge [sflag:s19], $0x2800  }
0x13: {  	[sflag:s19] =	ssyncset.done $0x0  }
0x14: {  	[sflag:s19] =	ssyncadd.s32 $0xFFFFD800  }
0x15: {  	_ =	swait.ge [sflag:s19], $0x2800  }
0x16: {  	s20 =	sadd.s32 $0x1, s20;
	[sflag:s19] =	ssyncset.done $0x0  }
0x17: {  	p0 =	sne.s32 s20, s11;
	[sflag:s19] =	ssyncadd.s32 $0xFFFFD800  }
.Ltmp1:
0x18: {  	[bflag:$0x0] =	sbarrier.arrive $0xFFFF;
	(pc) =	sbr.rel @!p0 .LBB2_6-.Ltmp1, $4  }
0x19: {  	[hbm:s24], [sflag:s22] =	dma.local [spmem:s23], $0x2780  }
0x1a: {  	_ =	swait.ge [sflag:s2], $0x2780  }
0x1b: {  	[sflag:s2] =	ssyncset.done $0x0  }
0x1c: {  	[sflag:s2] =	ssyncadd.s32 $0xFFFFD880  }
.LBB2_1:
0x1d: {  	s0 =	simm.s32 $0x13880  }
0x1e: {  	[tilespmem:s0], [sflag:$0x3] =	stream.linear.gather [hbm4b:s7+s3], $0x280, $0x38;
	[tilespmem:$0x1F080] =	vst v63  }
0x1f: {  	s21 =	simm.s32 $0x13C80  }
0x20: {  	[tilespmem:s21], [sflag:$0x3] =	stream.linear.gather [hbm4b:s12+s3], $0x280, $0x38;
	[tilespmem:$0x1F080] =	vst v63  }
0x21: {  	_ =	swait.ge [sflag:s14], $0x500  }
0x22: {  	[sflag:s14] =	ssyncset.done $0x0  }
0x23: {  	s15 =	simm.s32 $0x14080;
	[sflag:s14] =	ssyncadd.s32 $0xFFFFFB00  }
0x24: {  	[tilespmem:s15], [sflag:$0x3] =	stream.linear.gather [hbm4b:s8+s3], $0x280, $0x38;
	[tilespmem:$0x1F080] =	vst v63  }
0x25: {  	s22 =	simm.s32 $0x14480  }
0x26: {  	[tilespmem:s22], [sflag:$0x3] =	stream.linear.gather [hbm4b:s16+s3], $0x280, $0x38;
	[tilespmem:$0x1F080] =	vst v63  }
0x27: {  	v17 =	vld [tilespmem:$0x13880];
	_ =	sdelay $0x4  }
0x28: {  	v18 =	vshll.u32 v17, $0x1  }
0x29: {  	v17 =	vand.u32 $0x7, v17;
	v18 =	vand.u32 $0xFFFFFFF0, v18  }
0x2a: {  	v17 =	vor.u32 v17, v18  }
0x2b: {  	v18 =	vperm.xlane v17, v2;
	_ =	sdelay $0x1  }
0x2c: {  	v19 =	vperm.xlane v17, v1;
	v18 =	vadd.s32 v3, v18;
	_ =	sdelay $0x1  }
0x2d: {  	v20 =	vperm.xlane v17, v4;
	v19 =	vadd.s32 v3, v19;
	_ =	sdelay $0x1  }
0x2e: {  	s23 =	simm.s32 $0x15080;
	v21 =	vperm.xlane v17, v5;
	v20 =	vadd.s32 v3, v20  }
0x2f: {  	[tilespmem:s23], [sflag:$0x1] =	stream.indirect_vreg.gather [hbm4b:s9+s3], $0x80, v18, vm0, $0xb8;
	[tilespmem:$0x1F080] =	vst v63  }
0x30: {  	s25 =	simm.s32 $0x15100;
	v56 =	vperm.xlane v17, v6;
	v18 =	vadd.s32 v3, v21  }
0x31: {  	[tilespmem:s25], [sflag:$0x1] =	stream.indirect_vreg.gather [hbm4b:s9+s3], $0x80, v19, vm0, $0xb8;
	[tilespmem:$0x1F080] =	vst v63  }
0x32: {  	s26 =	simm.s32 $0x15180;
	v57 =	vperm.xlane v17, v7;
	v19 =	vadd.s32 v3, v56  }
0x33: {  	[tilespmem:s26], [sflag:$0x1] =	stream.indirect_vreg.gather [hbm4b:s9+s3], $0x80, v20, vm0, $0xb8;
	[tilespmem:$0x1F080] =	vst v63  }
0x34: {  	s28 =	simm.s32 $0x15200;
	v59 =	vperm.xlane v17, v8;
	v58 =	vadd.s32 v3, v57  }
0x35: {  	[tilespmem:s28], [sflag:$0x1] =	stream.indirect_vreg.gather [hbm4b:s9+s3], $0x80, v18, vm0, $0xb8;
	[tilespmem:$0x1F080] =	vst v63  }
0x36: {  	s29 =	simm.s32 $0x15280;
	v60 =	vperm.xlane v17, v0;
	v18 =	vadd.s32 v3, v59  }
0x37: {  	[tilespmem:s29], [sflag:$0x1] =	stream.indirect_vreg.gather [hbm4b:s9+s3], $0x80, v19, vm0, $0xb8;
	[tilespmem:$0x1F080] =	vst v63  }
0x38: {  	s30 =	simm.s32 $0x15300;
	v61 =	vperm.xlane v17, v9;
	v19 =	vadd.s32 v3, v60  }
0x39: {  	[tilespmem:s30], [sflag:$0x1] =	stream.indirect_vreg.gather [hbm4b:s9+s3], $0x80, v58, vm0, $0xb8;
	[tilespmem:$0x1F080] =	vst v63  }
0x3a: {  	s31 =	simm.s32 $0x15380;
	v63 =	vperm.xlane v17, v10;
	v62 =	vadd.s32 v3, v61  }
0x3b: {  	[tilespmem:s31], [sflag:$0x1] =	stream.indirect_vreg.gather [hbm4b:s9+s3], $0x80, v18, vm0, $0xb8;
	[tilespmem:$0x1F080] =	vst v63  }
0x3c: {  	s5 =	simm.s32 $0x15400;
	v24 =	vperm.xlane v17, v11;
	v18 =	vadd.s32 v3, v63  }
0x3d: {  	[tilespmem:s5], [sflag:$0x1] =	stream.indirect_vreg.gather [hbm4b:s9+s3], $0x80, v19, vm0, $0xb8;
	[tilespmem:$0x1F080] =	vst v63  }
0x3e: {  	s10 =	simm.s32 $0x15480;
	v25 =	vperm.xlane v17, v12;
	v19 =	vadd.s32 v3, v24  }
0x3f: {  	[tilespmem:s10], [sflag:$0x1] =	stream.indirect_vreg.gather [hbm4b:s9+s3], $0x80, v62, vm0, $0xb8;
	[tilespmem:$0x1F080] =	vst v63  }
0x40: {  	s13 =	simm.s32 $0x15500;
	v27 =	vperm.xlane v17, v13;
	v26 =	vadd.s32 v3, v25  }
0x41: {  	[tilespmem:s13], [sflag:$0x1] =	stream.indirect_vreg.gather [hbm4b:s9+s3], $0x80, v18, vm0, $0xb8;
	[tilespmem:$0x1F080] =	vst v63  }
0x42: {  	s15 =	simm.s32 $0x15580;
	v28 =	vperm.xlane v17, v14;
	v18 =	vadd.s32 v3, v27  }
0x43: {  	[tilespmem:s15], [sflag:$0x1] =	stream.indirect_vreg.gather [hbm4b:s9+s3], $0x80, v19, vm0, $0xb8;
	[tilespmem:$0x1F080] =	vst v63  }
0x44: {  	s22 =	simm.s32 $0x15600;
	v29 =	vperm.xlane v17, v15;
	v19 =	vadd.s32 v3, v28  }
0x45: {  	[tilespmem:s22], [sflag:$0x1] =	stream.indirect_vreg.gather [hbm4b:s9+s3], $0x80, v26, vm0, $0xb8;
	[tilespmem:$0x1F080] =	vst v63  }
0x46: {  	v17 =	vperm.xlane v17, v16;
	v30 =	vadd.s32 v3, v29;
	s23 =	simm.s32 $0x15680  }
0x47: {  	[tilespmem:s23], [sflag:$0x1] =	stream.indirect_vreg.gather [hbm4b:s9+s3], $0x80, v18, vm0, $0xb8;
	[tilespmem:$0x1F080] =	vst v63  }
0x48: {  	v17 =	vadd.s32 v3, v17;
	s25 =	simm.s32 $0x15700  }
0x49: {  	[tilespmem:s25], [sflag:$0x1] =	stream.indirect_vreg.gather [hbm4b:s9+s3], $0x80, v19, vm0, $0xb8;
	[tilespmem:$0x1F080] =	vst v63  }
0x4a: {  	s26 =	simm.s32 $0x15780  }
0x4b: {  	[tilespmem:s26], [sflag:$0x1] =	stream.indirect_vreg.gather [hbm4b:s9+s3], $0x80, v30, vm0, $0xb8;
	[tilespmem:$0x1F080] =	vst v63  }
0x4c: {  	s28 =	simm.s32 $0x15800  }
0x4d: {  	[tilespmem:s28], [sflag:$0x1] =	stream.indirect_vreg.gather [hbm4b:s9+s3], $0x80, v17, vm0, $0xb8;
	[tilespmem:$0x1F080] =	vst v63  }
0x4e: {  	v17 =	vld [tilespmem:$0x13890];
	_ =	sdelay $0x4  }
0x4f: {  	v18 =	vshll.u32 v17, $0x1  }
0x50: {  	v17 =	vand.u32 $0x7, v17;
	v18 =	vand.u32 $0xFFFFFFF0, v18  }
0x51: {  	v17 =	vor.u32 v17, v18  }
0x52: {  	v18 =	vperm.xlane v17, v2;
	_ =	sdelay $0x1  }
0x53: {  	v19 =	vperm.xlane v17, v1;
	v18 =	vadd.s32 v3, v18;
	_ =	sdelay $0x1  }
0x54: {  	v31 =	vperm.xlane v17, v4;
	v19 =	vadd.s32 v3, v19;
	_ =	sdelay $0x1  }
0x55: {  	s29 =	simm.s32 $0x15880;
	v32 =	vperm.xlane v17, v5;
	v20 =	vadd.s32 v3, v31  }
0x56: {  	[tilespmem:s29], [sflag:$0x1] =	stream.indirect_vreg.gather [hbm4b:s9+s3], $0x80, v18, vm0, $0xb8;
	[tilespmem:$0x1F080] =	vst v63  }
0x57: {  	s30 =	simm.s32 $0x15900;
	v33 =	vperm.xlane v17, v6;
	v18 =	vadd.s32 v3, v32  }
0x58: {  	[tilespmem:s30], [sflag:$0x1] =	stream.indirect_vreg.gather [hbm4b:s9+s3], $0x80, v19, vm0, $0xb8;
	[tilespmem:$0x1F080] =	vst v63  }
0x59: {  	s31 =	simm.s32 $0x15980;
	v34 =	vperm.xlane v17, v7;
	v19 =	vadd.s32 v3, v33  }
0x5a: {  	[tilespmem:s31], [sflag:$0x1] =	stream.indirect_vreg.gather [hbm4b:s9+s3], $0x80, v20, vm0, $0xb8;
	[tilespmem:$0x1F080] =	vst v63  }
0x5b: {  	s5 =	simm.s32 $0x15A00;
	v36 =	vperm.xlane v17, v8;
	v35 =	vadd.s32 v3, v34  }
0x5c: {  	[tilespmem:s5], [sflag:$0x1] =	stream.indirect_vreg.gather [hbm4b:s9+s3], $0x80, v18, vm0, $0xb8;
	[tilespmem:$0x1F080] =	vst v63  }
0x5d: {  	s10 =	simm.s32 $0x15A80;
	v37 =	vperm.xlane v17, v0;
	v18 =	vadd.s32 v3, v36  }
0x5e: {  	[tilespmem:s10], [sflag:$0x1] =	stream.indirect_vreg.gather [hbm4b:s9+s3], $0x80, v19, vm0, $0xb8;
	[tilespmem:$0x1F080] =	vst v63  }
0x5f: {  	s13 =	simm.s32 $0x15B00;
	v38 =	vperm.xlane v17, v9;
	v19 =	vadd.s32 v3, v37  }
0x60: {  	[tilespmem:s13], [sflag:$0x1] =	stream.indirect_vreg.gather [hbm4b:s9+s3], $0x80, v35, vm0, $0xb8;
	[tilespmem:$0x1F080] =	vst v63  }
0x61: {  	s15 =	simm.s32 $0x15B80;
	v40 =	vperm.xlane v17, v10;
	v39 =	vadd.s32 v3, v38  }
0x62: {  	[tilespmem:s15], [sflag:$0x1] =	stream.indirect_vreg.gather [hbm4b:s9+s3], $0x80, v18, vm0, $0xb8;
	[tilespmem:$0x1F080] =	vst v63  }
0x63: {  	s22 =	simm.s32 $0x15C00;
	v41 =	vperm.xlane v17, v11;
	v18 =	vadd.s32 v3, v40  }
0x64: {  	[tilespmem:s22], [sflag:$0x1] =	stream.indirect_vreg.gather [hbm4b:s9+s3], $0x80, v19, vm0, $0xb8;
	[tilespmem:$0x1F080] =	vst v63  }
0x65: {  	s23 =	simm.s32 $0x15C80;
	v42 =	vperm.xlane v17, v12;
	v19 =	vadd.s32 v3, v41  }
0x66: {  	[tilespmem:s23], [sflag:$0x1] =	stream.indirect_vreg.gather [hbm4b:s9+s3], $0x80, v39, vm0, $0xb8;
	[tilespmem:$0x1F080] =	vst v63  }
0x67: {  	s25 =	simm.s32 $0x15D00;
	v44 =	vperm.xlane v17, v13;
	v43 =	vadd.s32 v3, v42  }
0x68: {  	[tilespmem:s25], [sflag:$0x1] =	stream.indirect_vreg.gather [hbm4b:s9+s3], $0x80, v18, vm0, $0xb8;
	[tilespmem:$0x1F080] =	vst v63  }
0x69: {  	s26 =	simm.s32 $0x15D80;
	v45 =	vperm.xlane v17, v14;
	v18 =	vadd.s32 v3, v44  }
0x6a: {  	[tilespmem:s26], [sflag:$0x1] =	stream.indirect_vreg.gather [hbm4b:s9+s3], $0x80, v19, vm0, $0xb8;
	[tilespmem:$0x1F080] =	vst v63  }
0x6b: {  	s28 =	simm.s32 $0x15E00;
	v46 =	vperm.xlane v17, v15;
	v19 =	vadd.s32 v3, v45  }
0x6c: {  	[tilespmem:s28], [sflag:$0x1] =	stream.indirect_vreg.gather [hbm4b:s9+s3], $0x80, v43, vm0, $0xb8;
	[tilespmem:$0x1F080] =	vst v63  }
0x6d: {  	v17 =	vperm.xlane v17, v16;
	v47 =	vadd.s32 v3, v46;
	s29 =	simm.s32 $0x15E80  }
0x6e: {  	[tilespmem:s29], [sflag:$0x1] =	stream.indirect_vreg.gather [hbm4b:s9+s3], $0x80, v18, vm0, $0xb8;
	[tilespmem:$0x1F080] =	vst v63  }
0x6f: {  	v17 =	vadd.s32 v3, v17;
	s30 =	simm.s32 $0x15F00  }
0x70: {  	[tilespmem:s30], [sflag:$0x1] =	stream.indirect_vreg.gather [hbm4b:s9+s3], $0x80, v19, vm0, $0xb8;
	[tilespmem:$0x1F080] =	vst v63  }
0x71: {  	s31 =	simm.s32 $0x15F80  }
0x72: {  	[tilespmem:s31], [sflag:$0x1] =	stream.indirect_vreg.gather [hbm4b:s9+s3], $0x80, v47, vm0, $0xb8;
	[tilespmem:$0x1F080] =	vst v63  }
0x73: {  	s5 =	simm.s32 $0x16000  }
0x74: {  	[tilespmem:s5], [sflag:$0x1] =	stream.indirect_vreg.gather [hbm4b:s9+s3], $0x80, v17, vm0, $0xb8;
	[tilespmem:$0x1F080] =	vst v63  }
0x75: {  	v17 =	vld [tilespmem:$0x138A0];
	_ =	sdelay $0x4  }
0x76: {  	v18 =	vshll.u32 v17, $0x1  }
0x77: {  	v17 =	vand.u32 $0x7, v17;
	v18 =	vand.u32 $0xFFFFFFF0, v18  }
0x78: {  	v17 =	vor.u32 v17, v18  }
0x79: {  	v18 =	vperm.xlane v17, v2;
	_ =	sdelay $0x1  }
0x7a: {  	v19 =	vperm.xlane v17, v1;
	v18 =	vadd.s32 v3, v18;
	_ =	sdelay $0x1  }
0x7b: {  	v48 =	vperm.xlane v17, v4;
	v19 =	vadd.s32 v3, v19;
	_ =	sdelay $0x1  }
0x7c: {  	s10 =	simm.s32 $0x16080;
	v49 =	vperm.xlane v17, v5;
	v20 =	vadd.s32 v3, v48  }
0x7d: {  	[tilespmem:s10], [sflag:$0x1] =	stream.indirect_vreg.gather [hbm4b:s9+s3], $0x80, v18, vm0, $0xb8;
	[tilespmem:$0x1F080] =	vst v63  }
0x7e: {  	s13 =	simm.s32 $0x16100;
	v50 =	vperm.xlane v17, v6;
	v18 =	vadd.s32 v3, v49  }
0x7f: {  	[tilespmem:s13], [sflag:$0x1] =	stream.indirect_vreg.gather [hbm4b:s9+s3], $0x80, v19, vm0, $0xb8;
	[tilespmem:$0x1F080] =	vst v63  }
0x80: {  	s15 =	simm.s32 $0x16180;
	v51 =	vperm.xlane v17, v7;
	v19 =	vadd.s32 v3, v50  }
0x81: {  	[tilespmem:s15], [sflag:$0x1] =	stream.indirect_vreg.gather [hbm4b:s9+s3], $0x80, v20, vm0, $0xb8;
	[tilespmem:$0x1F080] =	vst v63  }
0x82: {  	s22 =	simm.s32 $0x16200;
	v53 =	vperm.xlane v17, v8;
	v52 =	vadd.s32 v3, v51  }
0x83: {  	[tilespmem:s22], [sflag:$0x1] =	stream.indirect_vreg.gather [hbm4b:s9+s3], $0x80, v18, vm0, $0xb8;
	[tilespmem:$0x1F080] =	vst v63  }
0x84: {  	s23 =	simm.s32 $0x16280;
	v54 =	vperm.xlane v17, v0;
	v18 =	vadd.s32 v3, v53  }
0x85: {  	[tilespmem:s23], [sflag:$0x1] =	stream.indirect_vreg.gather [hbm4b:s9+s3], $0x80, v19, vm0, $0xb8;
	[tilespmem:$0x1F080] =	vst v63  }
0x86: {  	s25 =	simm.s32 $0x16300;
	v55 =	vperm.xlane v17, v9;
	v19 =	vadd.s32 v3, v54  }
0x87: {  	[tilespmem:s25], [sflag:$0x1] =	stream.indirect_vreg.gather [hbm4b:s9+s3], $0x80, v52, vm0, $0xb8;
	[tilespmem:$0x1F080] =	vst v63  }
0x88: {  	s26 =	simm.s32 $0x16380;
	v57 =	vperm.xlane v17, v10;
	v56 =	vadd.s32 v3, v55  }
0x89: {  	[tilespmem:s26], [sflag:$0x1] =	stream.indirect_vreg.gather [hbm4b:s9+s3], $0x80, v18, vm0, $0xb8;
	[tilespmem:$0x1F080] =	vst v63  }
0x8a: {  	s28 =	simm.s32 $0x16400;
	v58 =	vperm.xlane v17, v11;
	v18 =	vadd.s32 v3, v57  }
0x8b: {  	[tilespmem:s28], [sflag:$0x1] =	stream.indirect_vreg.gather [hbm4b:s9+s3], $0x80, v19, vm0, $0xb8;
	[tilespmem:$0x1F080] =	vst v63  }
0x8c: {  	s29 =	simm.s32 $0x16480;
	v59 =	vperm.xlane v17, v12;
	v19 =	vadd.s32 v3, v58  }
0x8d: {  	[tilespmem:s29], [sflag:$0x1] =	stream.indirect_vreg.gather [hbm4b:s9+s3], $0x80, v56, vm0, $0xb8;
	[tilespmem:$0x1F080] =	vst v63  }
0x8e: {  	s30 =	simm.s32 $0x16500;
	v61 =	vperm.xlane v17, v13;
	v60 =	vadd.s32 v3, v59  }
0x8f: {  	[tilespmem:s30], [sflag:$0x1] =	stream.indirect_vreg.gather [hbm4b:s9+s3], $0x80, v18, vm0, $0xb8;
	[tilespmem:$0x1F080] =	vst v63  }
0x90: {  	s31 =	simm.s32 $0x16580;
	v62 =	vperm.xlane v17, v14;
	v18 =	vadd.s32 v3, v61  }
0x91: {  	[tilespmem:s31], [sflag:$0x1] =	stream.indirect_vreg.gather [hbm4b:s9+s3], $0x80, v19, vm0, $0xb8;
	[tilespmem:$0x1F080] =	vst v63  }
0x92: {  	s5 =	simm.s32 $0x16600;
	v63 =	vperm.xlane v17, v15;
	v19 =	vadd.s32 v3, v62  }
0x93: {  	[tilespmem:s5], [sflag:$0x1] =	stream.indirect_vreg.gather [hbm4b:s9+s3], $0x80, v60, vm0, $0xb8;
	[tilespmem:$0x1F080] =	vst v63  }
0x94: {  	v17 =	vperm.xlane v17, v16;
	v24 =	vadd.s32 v3, v63;
	s10 =	simm.s32 $0x16680  }
0x95: {  	[tilespmem:s10], [sflag:$0x1] =	stream.indirect_vreg.gather [hbm4b:s9+s3], $0x80, v18, vm0, $0xb8;
	[tilespmem:$0x1F080] =	vst v63  }
0x96: {  	v17 =	vadd.s32 v3, v17;
	s13 =	simm.s32 $0x16700  }
0x97: {  	[tilespmem:s13], [sflag:$0x1] =	stream.indirect_vreg.gather [hbm4b:s9+s3], $0x80, v19, vm0, $0xb8;
	[tilespmem:$0x1F080] =	vst v63  }
0x98: {  	s15 =	simm.s32 $0x16780  }
0x99: {  	[tilespmem:s15], [sflag:$0x1] =	stream.indirect_vreg.gather [hbm4b:s9+s3], $0x80, v24, vm0, $0xb8;
	[tilespmem:$0x1F080] =	vst v63  }
0x9a: {  	s22 =	simm.s32 $0x16800  }
0x9b: {  	[tilespmem:s22], [sflag:$0x1] =	stream.indirect_vreg.gather [hbm4b:s9+s3], $0x80, v17, vm0, $0xb8;
	[tilespmem:$0x1F080] =	vst v63  }
0x9c: {  	v17 =	vld [tilespmem:$0x138B0];
	_ =	sdelay $0x4  }
0x9d: {  	v18 =	vshll.u32 v17, $0x1  }
0x9e: {  	v17 =	vand.u32 $0x7, v17;
	v18 =	vand.u32 $0xFFFFFFF0, v18  }
0x9f: {  	v17 =	vor.u32 v17, v18  }
0xa0: {  	v18 =	vperm.xlane v17, v2;
	_ =	sdelay $0x1  }
0xa1: {  	v19 =	vperm.xlane v17, v1;
	v18 =	vadd.s32 v3, v18;
	_ =	sdelay $0x1  }
0xa2: {  	v25 =	vperm.xlane v17, v4;
	v19 =	vadd.s32 v3, v19;
	_ =	sdelay $0x1  }
0xa3: {  	s23 =	simm.s32 $0x16880;
	v26 =	vperm.xlane v17, v5;
	v20 =	vadd.s32 v3, v25  }
0xa4: {  	[tilespmem:s23], [sflag:$0x1] =	stream.indirect_vreg.gather [hbm4b:s9+s3], $0x80, v18, vm0, $0xb8;
	[tilespmem:$0x1F080] =	vst v63  }
0xa5: {  	s25 =	simm.s32 $0x16900;
	v27 =	vperm.xlane v17, v6;
	v18 =	vadd.s32 v3, v26  }
0xa6: {  	[tilespmem:s25], [sflag:$0x1] =	stream.indirect_vreg.gather [hbm4b:s9+s3], $0x80, v19, vm0, $0xb8;
	[tilespmem:$0x1F080] =	vst v63  }
0xa7: {  	s26 =	simm.s32 $0x16980;
	v28 =	vperm.xlane v17, v7;
	v19 =	vadd.s32 v3, v27  }
0xa8: {  	[tilespmem:s26], [sflag:$0x1] =	stream.indirect_vreg.gather [hbm4b:s9+s3], $0x80, v20, vm0, $0xb8;
	[tilespmem:$0x1F080] =	vst v63  }
0xa9: {  	s28 =	simm.s32 $0x16A00;
	v30 =	vperm.xlane v17, v8;
	v29 =	vadd.s32 v3, v28  }
0xaa: {  	[tilespmem:s28], [sflag:$0x1] =	stream.indirect_vreg.gather [hbm4b:s9+s3], $0x80, v18, vm0, $0xb8;
	[tilespmem:$0x1F080] =	vst v63  }
0xab: {  	s29 =	simm.s32 $0x16A80;
	v31 =	vperm.xlane v17, v0;
	v18 =	vadd.s32 v3, v30  }
0xac: {  	[tilespmem:s29], [sflag:$0x1] =	stream.indirect_vreg.gather [hbm4b:s9+s3], $0x80, v19, vm0, $0xb8;
	[tilespmem:$0x1F080] =	vst v63  }
0xad: {  	s30 =	simm.s32 $0x16B00;
	v32 =	vperm.xlane v17, v9;
	v19 =	vadd.s32 v3, v31  }
0xae: {  	[tilespmem:s30], [sflag:$0x1] =	stream.indirect_vreg.gather [hbm4b:s9+s3], $0x80, v29, vm0, $0xb8;
	[tilespmem:$0x1F080] =	vst v63  }
0xaf: {  	s31 =	simm.s32 $0x16B80;
	v34 =	vperm.xlane v17, v10;
	v33 =	vadd.s32 v3, v32  }
0xb0: {  	[tilespmem:s31], [sflag:$0x1] =	stream.indirect_vreg.gather [hbm4b:s9+s3], $0x80, v18, vm0, $0xb8;
	[tilespmem:$0x1F080] =	vst v63  }
0xb1: {  	s5 =	simm.s32 $0x16C00;
	v35 =	vperm.xlane v17, v11;
	v18 =	vadd.s32 v3, v34  }
0xb2: {  	[tilespmem:s5], [sflag:$0x1] =	stream.indirect_vreg.gather [hbm4b:s9+s3], $0x80, v19, vm0, $0xb8;
	[tilespmem:$0x1F080] =	vst v63  }
0xb3: {  	s10 =	simm.s32 $0x16C80;
	v36 =	vperm.xlane v17, v12;
	v19 =	vadd.s32 v3, v35  }
0xb4: {  	[tilespmem:s10], [sflag:$0x1] =	stream.indirect_vreg.gather [hbm4b:s9+s3], $0x80, v33, vm0, $0xb8;
	[tilespmem:$0x1F080] =	vst v63  }
0xb5: {  	s13 =	simm.s32 $0x16D00;
	v38 =	vperm.xlane v17, v13;
	v37 =	vadd.s32 v3, v36  }
0xb6: {  	[tilespmem:s13], [sflag:$0x1] =	stream.indirect_vreg.gather [hbm4b:s9+s3], $0x80, v18, vm0, $0xb8;
	[tilespmem:$0x1F080] =	vst v63  }
0xb7: {  	s15 =	simm.s32 $0x16D80;
	v39 =	vperm.xlane v17, v14;
	v18 =	vadd.s32 v3, v38  }
0xb8: {  	[tilespmem:s15], [sflag:$0x1] =	stream.indirect_vreg.gather [hbm4b:s9+s3], $0x80, v19, vm0, $0xb8;
	[tilespmem:$0x1F080] =	vst v63  }
0xb9: {  	s22 =	simm.s32 $0x16E00;
	v40 =	vperm.xlane v17, v15;
	v19 =	vadd.s32 v3, v39  }
0xba: {  	[tilespmem:s22], [sflag:$0x1] =	stream.indirect_vreg.gather [hbm4b:s9+s3], $0x80, v37, vm0, $0xb8;
	[tilespmem:$0x1F080] =	vst v63  }
0xbb: {  	v17 =	vperm.xlane v17, v16;
	v41 =	vadd.s32 v3, v40;
	s23 =	simm.s32 $0x16E80  }
0xbc: {  	[tilespmem:s23], [sflag:$0x1] =	stream.indirect_vreg.gather [hbm4b:s9+s3], $0x80, v18, vm0, $0xb8;
	[tilespmem:$0x1F080] =	vst v63  }
0xbd: {  	v17 =	vadd.s32 v3, v17;
	s25 =	simm.s32 $0x16F00  }
0xbe: {  	[tilespmem:s25], [sflag:$0x1] =	stream.indirect_vreg.gather [hbm4b:s9+s3], $0x80, v19, vm0, $0xb8;
	[tilespmem:$0x1F080] =	vst v63  }
0xbf: {  	s26 =	simm.s32 $0x16F80  }
0xc0: {  	[tilespmem:s26], [sflag:$0x1] =	stream.indirect_vreg.gather [hbm4b:s9+s3], $0x80, v41, vm0, $0xb8;
	[tilespmem:$0x1F080] =	vst v63  }
0xc1: {  	s28 =	simm.s32 $0x17000  }
0xc2: {  	[tilespmem:s28], [sflag:$0x1] =	stream.indirect_vreg.gather [hbm4b:s9+s3], $0x80, v17, vm0, $0xb8;
	[tilespmem:$0x1F080] =	vst v63  }
0xc3: {  	v17 =	vld [tilespmem:$0x138C0];
	_ =	sdelay $0x4  }
0xc4: {  	v18 =	vshll.u32 v17, $0x1  }
0xc5: {  	v17 =	vand.u32 $0x7, v17;
	v18 =	vand.u32 $0xFFFFFFF0, v18  }
0xc6: {  	v17 =	vor.u32 v17, v18  }
0xc7: {  	v18 =	vperm.xlane v17, v2;
	_ =	sdelay $0x1  }
0xc8: {  	v19 =	vperm.xlane v17, v1;
	v18 =	vadd.s32 v3, v18;
	_ =	sdelay $0x1  }
0xc9: {  	v42 =	vperm.xlane v17, v4;
	v19 =	vadd.s32 v3, v19;
	_ =	sdelay $0x1  }
0xca: {  	s29 =	simm.s32 $0x17080;
	v43 =	vperm.xlane v17, v5;
	v20 =	vadd.s32 v3, v42  }
0xcb: {  	[tilespmem:s29], [sflag:$0x1] =	stream.indirect_vreg.gather [hbm4b:s9+s3], $0x80, v18, vm0, $0xb8;
	[tilespmem:$0x1F080] =	vst v63  }
0xcc: {  	s30 =	simm.s32 $0x17100;
	v44 =	vperm.xlane v17, v6;
	v18 =	vadd.s32 v3, v43  }
0xcd: {  	[tilespmem:s30], [sflag:$0x1] =	stream.indirect_vreg.gather [hbm4b:s9+s3], $0x80, v19, vm0, $0xb8;
	[tilespmem:$0x1F080] =	vst v63  }
0xce: {  	s31 =	simm.s32 $0x17180;
	v45 =	vperm.xlane v17, v7;
	v19 =	vadd.s32 v3, v44  }
0xcf: {  	[tilespmem:s31], [sflag:$0x1] =	stream.indirect_vreg.gather [hbm4b:s9+s3], $0x80, v20, vm0, $0xb8;
	[tilespmem:$0x1F080] =	vst v63  }
0xd0: {  	s5 =	simm.s32 $0x17200;
	v47 =	vperm.xlane v17, v8;
	v46 =	vadd.s32 v3, v45  }
0xd1: {  	[tilespmem:s5], [sflag:$0x1] =	stream.indirect_vreg.gather [hbm4b:s9+s3], $0x80, v18, vm0, $0xb8;
	[tilespmem:$0x1F080] =	vst v63  }
0xd2: {  	s10 =	simm.s32 $0x17280;
	v48 =	vperm.xlane v17, v0;
	v18 =	vadd.s32 v3, v47  }
0xd3: {  	[tilespmem:s10], [sflag:$0x1] =	stream.indirect_vreg.gather [hbm4b:s9+s3], $0x80, v19, vm0, $0xb8;
	[tilespmem:$0x1F080] =	vst v63  }
0xd4: {  	s13 =	simm.s32 $0x17300;
	v49 =	vperm.xlane v17, v9;
	v19 =	vadd.s32 v3, v48  }
0xd5: {  	[tilespmem:s13], [sflag:$0x1] =	stream.indirect_vreg.gather [hbm4b:s9+s3], $0x80, v46, vm0, $0xb8;
	[tilespmem:$0x1F080] =	vst v63  }
0xd6: {  	s15 =	simm.s32 $0x17380;
	v51 =	vperm.xlane v17, v10;
	v50 =	vadd.s32 v3, v49  }
0xd7: {  	[tilespmem:s15], [sflag:$0x1] =	stream.indirect_vreg.gather [hbm4b:s9+s3], $0x80, v18, vm0, $0xb8;
	[tilespmem:$0x1F080] =	vst v63  }
0xd8: {  	s22 =	simm.s32 $0x17400;
	v52 =	vperm.xlane v17, v11;
	v18 =	vadd.s32 v3, v51  }
0xd9: {  	[tilespmem:s22], [sflag:$0x1] =	stream.indirect_vreg.gather [hbm4b:s9+s3], $0x80, v19, vm0, $0xb8;
	[tilespmem:$0x1F080] =	vst v63  }
0xda: {  	s23 =	simm.s32 $0x17480;
	v53 =	vperm.xlane v17, v12;
	v19 =	vadd.s32 v3, v52  }
0xdb: {  	[tilespmem:s23], [sflag:$0x1] =	stream.indirect_vreg.gather [hbm4b:s9+s3], $0x80, v50, vm0, $0xb8;
	[tilespmem:$0x1F080] =	vst v63  }
0xdc: {  	s25 =	simm.s32 $0x17500;
	v55 =	vperm.xlane v17, v13;
	v54 =	vadd.s32 v3, v53  }
0xdd: {  	[tilespmem:s25], [sflag:$0x1] =	stream.indirect_vreg.gather [hbm4b:s9+s3], $0x80, v18, vm0, $0xb8;
	[tilespmem:$0x1F080] =	vst v63  }
0xde: {  	s26 =	simm.s32 $0x17580;
	v56 =	vperm.xlane v17, v14;
	v18 =	vadd.s32 v3, v55  }
0xdf: {  	[tilespmem:s26], [sflag:$0x1] =	stream.indirect_vreg.gather [hbm4b:s9+s3], $0x80, v19, vm0, $0xb8;
	[tilespmem:$0x1F080] =	vst v63  }
0xe0: {  	s28 =	simm.s32 $0x17600;
	v57 =	vperm.xlane v17, v15;
	v19 =	vadd.s32 v3, v56  }
0xe1: {  	[tilespmem:s28], [sflag:$0x1] =	stream.indirect_vreg.gather [hbm4b:s9+s3], $0x80, v54, vm0, $0xb8;
	[tilespmem:$0x1F080] =	vst v63  }
0xe2: {  	v17 =	vperm.xlane v17, v16;
	v58 =	vadd.s32 v3, v57;
	s29 =	simm.s32 $0x17680  }
0xe3: {  	[tilespmem:s29], [sflag:$0x1] =	stream.indirect_vreg.gather [hbm4b:s9+s3], $0x80, v18, vm0, $0xb8;
	[tilespmem:$0x1F080] =	vst v63  }
0xe4: {  	v17 =	vadd.s32 v3, v17;
	s30 =	simm.s32 $0x17700  }
0xe5: {  	[tilespmem:s30], [sflag:$0x1] =	stream.indirect_vreg.gather [hbm4b:s9+s3], $0x80, v19, vm0, $0xb8;
	[tilespmem:$0x1F080] =	vst v63  }
0xe6: {  	s31 =	simm.s32 $0x17780  }
0xe7: {  	[tilespmem:s31], [sflag:$0x1] =	stream.indirect_vreg.gather [hbm4b:s9+s3], $0x80, v58, vm0, $0xb8;
	[tilespmem:$0x1F080] =	vst v63  }
0xe8: {  	s5 =	simm.s32 $0x17800  }
0xe9: {  	[tilespmem:s5], [sflag:$0x1] =	stream.indirect_vreg.gather [hbm4b:s9+s3], $0x80, v17, vm0, $0xb8;
	[tilespmem:$0x1F080] =	vst v63  }
0xea: {  	v17 =	vld [tilespmem:$0x13900];
	_ =	sdelay $0x4  }
0xeb: {  	v18 =	vshll.u32 v17, $0x1  }
0xec: {  	v17 =	vand.u32 $0x7, v17;
	v18 =	vand.u32 $0xFFFFFFF0, v18  }
0xed: {  	v17 =	vor.u32 v17, v18  }
0xee: {  	v18 =	vperm.xlane v17, v2;
	_ =	sdelay $0x1  }
0xef: {  	v19 =	vperm.xlane v17, v1;
	v18 =	vadd.s32 v3, v18;
	_ =	sdelay $0x1  }
0xf0: {  	v59 =	vperm.xlane v17, v4;
	v19 =	vadd.s32 v3, v19;
	_ =	sdelay $0x1  }
0xf1: {  	s10 =	simm.s32 $0x17880;
	v60 =	vperm.xlane v17, v5;
	v20 =	vadd.s32 v3, v59  }
0xf2: {  	[tilespmem:s10], [sflag:$0x1] =	stream.indirect_vreg.gather [hbm4b:s9+s3], $0x80, v18, vm0, $0xb8;
	[tilespmem:$0x1F080] =	vst v63  }
0xf3: {  	s13 =	simm.s32 $0x17900;
	v61 =	vperm.xlane v17, v6;
	v18 =	vadd.s32 v3, v60  }
0xf4: {  	[tilespmem:s13], [sflag:$0x1] =	stream.indirect_vreg.gather [hbm4b:s9+s3], $0x80, v19, vm0, $0xb8;
	[tilespmem:$0x1F080] =	vst v63  }
0xf5: {  	s15 =	simm.s32 $0x17980;
	v62 =	vperm.xlane v17, v7;
	v19 =	vadd.s32 v3, v61  }
0xf6: {  	[tilespmem:s15], [sflag:$0x1] =	stream.indirect_vreg.gather [hbm4b:s9+s3], $0x80, v20, vm0, $0xb8;
	[tilespmem:$0x1F080] =	vst v63  }
0xf7: {  	s22 =	simm.s32 $0x17A00;
	v24 =	vperm.xlane v17, v8;
	v63 =	vadd.s32 v3, v62  }
0xf8: {  	[tilespmem:s22], [sflag:$0x1] =	stream.indirect_vreg.gather [hbm4b:s9+s3], $0x80, v18, vm0, $0xb8;
	[tilespmem:$0x1F080] =	vst v63  }
0xf9: {  	s23 =	simm.s32 $0x17A80;
	v25 =	vperm.xlane v17, v0;
	v18 =	vadd.s32 v3, v24  }
0xfa: {  	[tilespmem:s23], [sflag:$0x1] =	stream.indirect_vreg.gather [hbm4b:s9+s3], $0x80, v19, vm0, $0xb8;
	[tilespmem:$0x1F080] =	vst v63  }
0xfb: {  	s25 =	simm.s32 $0x17B00;
	v26 =	vperm.xlane v17, v9;
	v19 =	vadd.s32 v3, v25  }
0xfc: {  	[tilespmem:s25], [sflag:$0x1] =	stream.indirect_vreg.gather [hbm4b:s9+s3], $0x80, v63, vm0, $0xb8;
	[tilespmem:$0x1F080] =	vst v63  }
0xfd: {  	s26 =	simm.s32 $0x17B80;
	v28 =	vperm.xlane v17, v10;
	v27 =	vadd.s32 v3, v26  }
0xfe: {  	[tilespmem:s26], [sflag:$0x1] =	stream.indirect_vreg.gather [hbm4b:s9+s3], $0x80, v18, vm0, $0xb8;
	[tilespmem:$0x1F080] =	vst v63  }
0xff: {  	s28 =	simm.s32 $0x17C00;
	v29 =	vperm.xlane v17, v11;
	v18 =	vadd.s32 v3, v28  }
0x100: {  	[tilespmem:s28], [sflag:$0x1] =	stream.indirect_vreg.gather [hbm4b:s9+s3], $0x80, v19, vm0, $0xb8;
	[tilespmem:$0x1F080] =	vst v63  }
0x101: {  	s29 =	simm.s32 $0x17C80;
	v30 =	vperm.xlane v17, v12;
	v19 =	vadd.s32 v3, v29  }
0x102: {  	[tilespmem:s29], [sflag:$0x1] =	stream.indirect_vreg.gather [hbm4b:s9+s3], $0x80, v27, vm0, $0xb8;
	[tilespmem:$0x1F080] =	vst v63  }
0x103: {  	s30 =	simm.s32 $0x17D00;
	v32 =	vperm.xlane v17, v13;
	v31 =	vadd.s32 v3, v30  }
0x104: {  	[tilespmem:s30], [sflag:$0x1] =	stream.indirect_vreg.gather [hbm4b:s9+s3], $0x80, v18, vm0, $0xb8;
	[tilespmem:$0x1F080] =	vst v63  }
0x105: {  	s31 =	simm.s32 $0x17D80;
	v33 =	vperm.xlane v17, v14;
	v18 =	vadd.s32 v3, v32  }
0x106: {  	[tilespmem:s31], [sflag:$0x1] =	stream.indirect_vreg.gather [hbm4b:s9+s3], $0x80, v19, vm0, $0xb8;
	[tilespmem:$0x1F080] =	vst v63  }
0x107: {  	s5 =	simm.s32 $0x17E00;
	v34 =	vperm.xlane v17, v15;
	v19 =	vadd.s32 v3, v33  }
0x108: {  	[tilespmem:s5], [sflag:$0x1] =	stream.indirect_vreg.gather [hbm4b:s9+s3], $0x80, v31, vm0, $0xb8;
	[tilespmem:$0x1F080] =	vst v63  }
0x109: {  	v17 =	vperm.xlane v17, v16;
	v35 =	vadd.s32 v3, v34;
	s10 =	simm.s32 $0x17E80  }
0x10a: {  	[tilespmem:s10], [sflag:$0x1] =	stream.indirect_vreg.gather [hbm4b:s9+s3], $0x80, v18, vm0, $0xb8;
	[tilespmem:$0x1F080] =	vst v63  }
0x10b: {  	v17 =	vadd.s32 v3, v17;
	s13 =	simm.s32 $0x17F00  }
0x10c: {  	[tilespmem:s13], [sflag:$0x1] =	stream.indirect_vreg.gather [hbm4b:s9+s3], $0x80, v19, vm0, $0xb8;
	[tilespmem:$0x1F080] =	vst v63  }
0x10d: {  	s15 =	simm.s32 $0x17F80  }
0x10e: {  	[tilespmem:s15], [sflag:$0x1] =	stream.indirect_vreg.gather [hbm4b:s9+s3], $0x80, v35, vm0, $0xb8;
	[tilespmem:$0x1F080] =	vst v63  }
0x10f: {  	s22 =	simm.s32 $0x18000  }
0x110: {  	[tilespmem:s22], [sflag:$0x1] =	stream.indirect_vreg.gather [hbm4b:s9+s3], $0x80, v17, vm0, $0xb8;
	[tilespmem:$0x1F080] =	vst v63  }
0x111: {  	v17 =	vld [tilespmem:$0x13910];
	_ =	sdelay $0x4  }
0x112: {  	v18 =	vshll.u32 v17, $0x1  }
0x113: {  	v17 =	vand.u32 $0x7, v17;
	v18 =	vand.u32 $0xFFFFFFF0, v18  }
0x114: {  	v17 =	vor.u32 v17, v18  }
0x115: {  	v18 =	vperm.xlane v17, v2;
	_ =	sdelay $0x1  }
0x116: {  	v19 =	vperm.xlane v17, v1;
	v18 =	vadd.s32 v3, v18;
	_ =	sdelay $0x1  }
0x117: {  	v36 =	vperm.xlane v17, v4;
	v19 =	vadd.s32 v3, v19;
	_ =	sdelay $0x1  }
0x118: {  	s23 =	simm.s32 $0x18080;
	v37 =	vperm.xlane v17, v5;
	v20 =	vadd.s32 v3, v36  }
0x119: {  	[tilespmem:s23], [sflag:$0x1] =	stream.indirect_vreg.gather [hbm4b:s9+s3], $0x80, v18, vm0, $0xb8;
	[tilespmem:$0x1F080] =	vst v63  }
0x11a: {  	s25 =	simm.s32 $0x18100;
	v38 =	vperm.xlane v17, v6;
	v18 =	vadd.s32 v3, v37  }
0x11b: {  	[tilespmem:s25], [sflag:$0x1] =	stream.indirect_vreg.gather [hbm4b:s9+s3], $0x80, v19, vm0, $0xb8;
	[tilespmem:$0x1F080] =	vst v63  }
0x11c: {  	s26 =	simm.s32 $0x18180;
	v39 =	vperm.xlane v17, v7;
	v19 =	vadd.s32 v3, v38  }
0x11d: {  	[tilespmem:s26], [sflag:$0x1] =	stream.indirect_vreg.gather [hbm4b:s9+s3], $0x80, v20, vm0, $0xb8;
	[tilespmem:$0x1F080] =	vst v63  }
0x11e: {  	s28 =	simm.s32 $0x18200;
	v41 =	vperm.xlane v17, v8;
	v40 =	vadd.s32 v3, v39  }
0x11f: {  	[tilespmem:s28], [sflag:$0x1] =	stream.indirect_vreg.gather [hbm4b:s9+s3], $0x80, v18, vm0, $0xb8;
	[tilespmem:$0x1F080] =	vst v63  }
0x120: {  	s29 =	simm.s32 $0x18280;
	v42 =	vperm.xlane v17, v0;
	v18 =	vadd.s32 v3, v41  }
0x121: {  	[tilespmem:s29], [sflag:$0x1] =	stream.indirect_vreg.gather [hbm4b:s9+s3], $0x80, v19, vm0, $0xb8;
	[tilespmem:$0x1F080] =	vst v63  }
0x122: {  	s30 =	simm.s32 $0x18300;
	v43 =	vperm.xlane v17, v9;
	v19 =	vadd.s32 v3, v42  }
0x123: {  	[tilespmem:s30], [sflag:$0x1] =	stream.indirect_vreg.gather [hbm4b:s9+s3], $0x80, v40, vm0, $0xb8;
	[tilespmem:$0x1F080] =	vst v63  }
0x124: {  	s31 =	simm.s32 $0x18380;
	v45 =	vperm.xlane v17, v10;
	v44 =	vadd.s32 v3, v43  }
0x125: {  	[tilespmem:s31], [sflag:$0x1] =	stream.indirect_vreg.gather [hbm4b:s9+s3], $0x80, v18, vm0, $0xb8;
	[tilespmem:$0x1F080] =	vst v63  }
0x126: {  	s5 =	simm.s32 $0x18400;
	v46 =	vperm.xlane v17, v11;
	v18 =	vadd.s32 v3, v45  }
0x127: {  	[tilespmem:s5], [sflag:$0x1] =	stream.indirect_vreg.gather [hbm4b:s9+s3], $0x80, v19, vm0, $0xb8;
	[tilespmem:$0x1F080] =	vst v63  }
0x128: {  	s10 =	simm.s32 $0x18480;
	v47 =	vperm.xlane v17, v12;
	v19 =	vadd.s32 v3, v46  }
0x129: {  	[tilespmem:s10], [sflag:$0x1] =	stream.indirect_vreg.gather [hbm4b:s9+s3], $0x80, v44, vm0, $0xb8;
	[tilespmem:$0x1F080] =	vst v63  }
0x12a: {  	s13 =	simm.s32 $0x18500;
	v49 =	vperm.xlane v17, v13;
	v48 =	vadd.s32 v3, v47  }
0x12b: {  	[tilespmem:s13], [sflag:$0x1] =	stream.indirect_vreg.gather [hbm4b:s9+s3], $0x80, v18, vm0, $0xb8;
	[tilespmem:$0x1F080] =	vst v63  }
0x12c: {  	s15 =	simm.s32 $0x18580;
	v50 =	vperm.xlane v17, v14;
	v18 =	vadd.s32 v3, v49  }
0x12d: {  	[tilespmem:s15], [sflag:$0x1] =	stream.indirect_vreg.gather [hbm4b:s9+s3], $0x80, v19, vm0, $0xb8;
	[tilespmem:$0x1F080] =	vst v63  }
0x12e: {  	s22 =	simm.s32 $0x18600;
	v51 =	vperm.xlane v17, v15;
	v19 =	vadd.s32 v3, v50  }
0x12f: {  	[tilespmem:s22], [sflag:$0x1] =	stream.indirect_vreg.gather [hbm4b:s9+s3], $0x80, v48, vm0, $0xb8;
	[tilespmem:$0x1F080] =	vst v63  }
0x130: {  	v17 =	vperm.xlane v17, v16;
	v52 =	vadd.s32 v3, v51;
	s23 =	simm.s32 $0x18680  }
0x131: {  	[tilespmem:s23], [sflag:$0x1] =	stream.indirect_vreg.gather [hbm4b:s9+s3], $0x80, v18, vm0, $0xb8;
	[tilespmem:$0x1F080] =	vst v63  }
0x132: {  	v17 =	vadd.s32 v3, v17;
	s25 =	simm.s32 $0x18700  }
0x133: {  	[tilespmem:s25], [sflag:$0x1] =	stream.indirect_vreg.gather [hbm4b:s9+s3], $0x80, v19, vm0, $0xb8;
	[tilespmem:$0x1F080] =	vst v63  }
0x134: {  	s26 =	simm.s32 $0x18780  }
0x135: {  	[tilespmem:s26], [sflag:$0x1] =	stream.indirect_vreg.gather [hbm4b:s9+s3], $0x80, v52, vm0, $0xb8;
	[tilespmem:$0x1F080] =	vst v63  }
0x136: {  	s28 =	simm.s32 $0x18800  }
0x137: {  	[tilespmem:s28], [sflag:$0x1] =	stream.indirect_vreg.gather [hbm4b:s9+s3], $0x80, v17, vm0, $0xb8;
	[tilespmem:$0x1F080] =	vst v63  }
0x138: {  	v17 =	vld [tilespmem:$0x13920];
	_ =	sdelay $0x4  }
0x139: {  	v18 =	vshll.u32 v17, $0x1  }
0x13a: {  	v17 =	vand.u32 $0x7, v17;
	v18 =	vand.u32 $0xFFFFFFF0, v18  }
0x13b: {  	v17 =	vor.u32 v17, v18  }
0x13c: {  	v18 =	vperm.xlane v17, v2;
	_ =	sdelay $0x1  }
0x13d: {  	v19 =	vperm.xlane v17, v1;
	v18 =	vadd.s32 v3, v18;
	_ =	sdelay $0x1  }
0x13e: {  	v53 =	vperm.xlane v17, v4;
	v19 =	vadd.s32 v3, v19;
	_ =	sdelay $0x1  }
0x13f: {  	s29 =	simm.s32 $0x18880;
	v54 =	vperm.xlane v17, v5;
	v20 =	vadd.s32 v3, v53  }
0x140: {  	[tilespmem:s29], [sflag:$0x1] =	stream.indirect_vreg.gather [hbm4b:s9+s3], $0x80, v18, vm0, $0xb8;
	[tilespmem:$0x1F080] =	vst v63  }
0x141: {  	s30 =	simm.s32 $0x18900;
	v55 =	vperm.xlane v17, v6;
	v18 =	vadd.s32 v3, v54  }
0x142: {  	[tilespmem:s30], [sflag:$0x1] =	stream.indirect_vreg.gather [hbm4b:s9+s3], $0x80, v19, vm0, $0xb8;
	[tilespmem:$0x1F080] =	vst v63  }
0x143: {  	s31 =	simm.s32 $0x18980;
	v56 =	vperm.xlane v17, v7;
	v19 =	vadd.s32 v3, v55  }
0x144: {  	[tilespmem:s31], [sflag:$0x1] =	stream.indirect_vreg.gather [hbm4b:s9+s3], $0x80, v20, vm0, $0xb8;
	[tilespmem:$0x1F080] =	vst v63  }
0x145: {  	s5 =	simm.s32 $0x18A00;
	v58 =	vperm.xlane v17, v8;
	v57 =	vadd.s32 v3, v56  }
0x146: {  	[tilespmem:s5], [sflag:$0x1] =	stream.indirect_vreg.gather [hbm4b:s9+s3], $0x80, v18, vm0, $0xb8;
	[tilespmem:$0x1F080] =	vst v63  }
0x147: {  	s10 =	simm.s32 $0x18A80;
	v59 =	vperm.xlane v17, v0;
	v18 =	vadd.s32 v3, v58  }
0x148: {  	[tilespmem:s10], [sflag:$0x1] =	stream.indirect_vreg.gather [hbm4b:s9+s3], $0x80, v19, vm0, $0xb8;
	[tilespmem:$0x1F080] =	vst v63  }
0x149: {  	s13 =	simm.s32 $0x18B00;
	v60 =	vperm.xlane v17, v9;
	v19 =	vadd.s32 v3, v59  }
0x14a: {  	[tilespmem:s13], [sflag:$0x1] =	stream.indirect_vreg.gather [hbm4b:s9+s3], $0x80, v57, vm0, $0xb8;
	[tilespmem:$0x1F080] =	vst v63  }
0x14b: {  	s15 =	simm.s32 $0x18B80;
	v62 =	vperm.xlane v17, v10;
	v61 =	vadd.s32 v3, v60  }
0x14c: {  	[tilespmem:s15], [sflag:$0x1] =	stream.indirect_vreg.gather [hbm4b:s9+s3], $0x80, v18, vm0, $0xb8;
	[tilespmem:$0x1F080] =	vst v63  }
0x14d: {  	s22 =	simm.s32 $0x18C00;
	v63 =	vperm.xlane v17, v11;
	v18 =	vadd.s32 v3, v62  }
0x14e: {  	[tilespmem:s22], [sflag:$0x1] =	stream.indirect_vreg.gather [hbm4b:s9+s3], $0x80, v19, vm0, $0xb8;
	[tilespmem:$0x1F080] =	vst v63  }
0x14f: {  	s23 =	simm.s32 $0x18C80;
	v24 =	vperm.xlane v17, v12;
	v19 =	vadd.s32 v3, v63  }
0x150: {  	[tilespmem:s23], [sflag:$0x1] =	stream.indirect_vreg.gather [hbm4b:s9+s3], $0x80, v61, vm0, $0xb8;
	[tilespmem:$0x1F080] =	vst v63  }
0x151: {  	s25 =	simm.s32 $0x18D00;
	v26 =	vperm.xlane v17, v13;
	v25 =	vadd.s32 v3, v24  }
0x152: {  	[tilespmem:s25], [sflag:$0x1] =	stream.indirect_vreg.gather [hbm4b:s9+s3], $0x80, v18, vm0, $0xb8;
	[tilespmem:$0x1F080] =	vst v63  }
0x153: {  	s26 =	simm.s32 $0x18D80;
	v27 =	vperm.xlane v17, v14;
	v18 =	vadd.s32 v3, v26  }
0x154: {  	[tilespmem:s26], [sflag:$0x1] =	stream.indirect_vreg.gather [hbm4b:s9+s3], $0x80, v19, vm0, $0xb8;
	[tilespmem:$0x1F080] =	vst v63  }
0x155: {  	s28 =	simm.s32 $0x18E00;
	v28 =	vperm.xlane v17, v15;
	v19 =	vadd.s32 v3, v27  }
0x156: {  	[tilespmem:s28], [sflag:$0x1] =	stream.indirect_vreg.gather [hbm4b:s9+s3], $0x80, v25, vm0, $0xb8;
	[tilespmem:$0x1F080] =	vst v63  }
0x157: {  	v17 =	vperm.xlane v17, v16;
	v29 =	vadd.s32 v3, v28;
	s29 =	simm.s32 $0x18E80  }
0x158: {  	[tilespmem:s29], [sflag:$0x1] =	stream.indirect_vreg.gather [hbm4b:s9+s3], $0x80, v18, vm0, $0xb8;
	[tilespmem:$0x1F080] =	vst v63  }
0x159: {  	v17 =	vadd.s32 v3, v17;
	s30 =	simm.s32 $0x18F00  }
0x15a: {  	[tilespmem:s30], [sflag:$0x1] =	stream.indirect_vreg.gather [hbm4b:s9+s3], $0x80, v19, vm0, $0xb8;
	[tilespmem:$0x1F080] =	vst v63  }
0x15b: {  	s31 =	simm.s32 $0x18F80  }
0x15c: {  	[tilespmem:s31], [sflag:$0x1] =	stream.indirect_vreg.gather [hbm4b:s9+s3], $0x80, v29, vm0, $0xb8;
	[tilespmem:$0x1F080] =	vst v63  }
0x15d: {  	s5 =	simm.s32 $0x19000  }
0x15e: {  	[tilespmem:s5], [sflag:$0x1] =	stream.indirect_vreg.gather [hbm4b:s9+s3], $0x80, v17, vm0, $0xb8;
	[tilespmem:$0x1F080] =	vst v63  }
0x15f: {  	v17 =	vld [tilespmem:$0x13930];
	_ =	sdelay $0x4  }
0x160: {  	v18 =	vshll.u32 v17, $0x1  }
0x161: {  	v17 =	vand.u32 $0x7, v17;
	v18 =	vand.u32 $0xFFFFFFF0, v18  }
0x162: {  	v17 =	vor.u32 v17, v18  }
0x163: {  	v18 =	vperm.xlane v17, v2;
	_ =	sdelay $0x1  }
0x164: {  	v19 =	vperm.xlane v17, v1;
	v18 =	vadd.s32 v3, v18;
	_ =	sdelay $0x1  }
0x165: {  	v30 =	vperm.xlane v17, v4;
	v19 =	vadd.s32 v3, v19;
	_ =	sdelay $0x1  }
0x166: {  	s10 =	simm.s32 $0x19080;
	v31 =	vperm.xlane v17, v5;
	v20 =	vadd.s32 v3, v30  }
0x167: {  	[tilespmem:s10], [sflag:$0x1] =	stream.indirect_vreg.gather [hbm4b:s9+s3], $0x80, v18, vm0, $0xb8;
	[tilespmem:$0x1F080] =	vst v63  }
0x168: {  	s13 =	simm.s32 $0x19100;
	v32 =	vperm.xlane v17, v6;
	v18 =	vadd.s32 v3, v31  }
0x169: {  	[tilespmem:s13], [sflag:$0x1] =	stream.indirect_vreg.gather [hbm4b:s9+s3], $0x80, v19, vm0, $0xb8;
	[tilespmem:$0x1F080] =	vst v63  }
0x16a: {  	s15 =	simm.s32 $0x19180;
	v33 =	vperm.xlane v17, v7;
	v19 =	vadd.s32 v3, v32  }
0x16b: {  	[tilespmem:s15], [sflag:$0x1] =	stream.indirect_vreg.gather [hbm4b:s9+s3], $0x80, v20, vm0, $0xb8;
	[tilespmem:$0x1F080] =	vst v63  }
0x16c: {  	s22 =	simm.s32 $0x19200;
	v35 =	vperm.xlane v17, v8;
	v34 =	vadd.s32 v3, v33  }
0x16d: {  	[tilespmem:s22], [sflag:$0x1] =	stream.indirect_vreg.gather [hbm4b:s9+s3], $0x80, v18, vm0, $0xb8;
	[tilespmem:$0x1F080] =	vst v63  }
0x16e: {  	s23 =	simm.s32 $0x19280;
	v36 =	vperm.xlane v17, v0;
	v18 =	vadd.s32 v3, v35  }
0x16f: {  	[tilespmem:s23], [sflag:$0x1] =	stream.indirect_vreg.gather [hbm4b:s9+s3], $0x80, v19, vm0, $0xb8;
	[tilespmem:$0x1F080] =	vst v63  }
0x170: {  	s25 =	simm.s32 $0x19300;
	v37 =	vperm.xlane v17, v9;
	v19 =	vadd.s32 v3, v36  }
0x171: {  	[tilespmem:s25], [sflag:$0x1] =	stream.indirect_vreg.gather [hbm4b:s9+s3], $0x80, v34, vm0, $0xb8;
	[tilespmem:$0x1F080] =	vst v63  }
0x172: {  	s26 =	simm.s32 $0x19380;
	v39 =	vperm.xlane v17, v10;
	v38 =	vadd.s32 v3, v37  }
0x173: {  	[tilespmem:s26], [sflag:$0x1] =	stream.indirect_vreg.gather [hbm4b:s9+s3], $0x80, v18, vm0, $0xb8;
	[tilespmem:$0x1F080] =	vst v63  }
0x174: {  	s28 =	simm.s32 $0x19400;
	v40 =	vperm.xlane v17, v11;
	v18 =	vadd.s32 v3, v39  }
0x175: {  	[tilespmem:s28], [sflag:$0x1] =	stream.indirect_vreg.gather [hbm4b:s9+s3], $0x80, v19, vm0, $0xb8;
	[tilespmem:$0x1F080] =	vst v63  }
0x176: {  	s29 =	simm.s32 $0x19480;
	v41 =	vperm.xlane v17, v12;
	v19 =	vadd.s32 v3, v40  }
0x177: {  	[tilespmem:s29], [sflag:$0x1] =	stream.indirect_vreg.gather [hbm4b:s9+s3], $0x80, v38, vm0, $0xb8;
	[tilespmem:$0x1F080] =	vst v63  }
0x178: {  	s30 =	simm.s32 $0x19500;
	v43 =	vperm.xlane v17, v13;
	v42 =	vadd.s32 v3, v41  }
0x179: {  	[tilespmem:s30], [sflag:$0x1] =	stream.indirect_vreg.gather [hbm4b:s9+s3], $0x80, v18, vm0, $0xb8;
	[tilespmem:$0x1F080] =	vst v63  }
0x17a: {  	s31 =	simm.s32 $0x19580;
	v44 =	vperm.xlane v17, v14;
	v18 =	vadd.s32 v3, v43  }
0x17b: {  	[tilespmem:s31], [sflag:$0x1] =	stream.indirect_vreg.gather [hbm4b:s9+s3], $0x80, v19, vm0, $0xb8;
	[tilespmem:$0x1F080] =	vst v63  }
0x17c: {  	s5 =	simm.s32 $0x19600;
	v45 =	vperm.xlane v17, v15;
	v19 =	vadd.s32 v3, v44  }
0x17d: {  	[tilespmem:s5], [sflag:$0x1] =	stream.indirect_vreg.gather [hbm4b:s9+s3], $0x80, v42, vm0, $0xb8;
	[tilespmem:$0x1F080] =	vst v63  }
0x17e: {  	v17 =	vperm.xlane v17, v16;
	v46 =	vadd.s32 v3, v45;
	s10 =	simm.s32 $0x19680  }
0x17f: {  	[tilespmem:s10], [sflag:$0x1] =	stream.indirect_vreg.gather [hbm4b:s9+s3], $0x80, v18, vm0, $0xb8;
	[tilespmem:$0x1F080] =	vst v63  }
0x180: {  	v17 =	vadd.s32 v3, v17;
	s13 =	simm.s32 $0x19700  }
0x181: {  	[tilespmem:s13], [sflag:$0x1] =	stream.indirect_vreg.gather [hbm4b:s9+s3], $0x80, v19, vm0, $0xb8;
	[tilespmem:$0x1F080] =	vst v63  }
0x182: {  	s15 =	simm.s32 $0x19780  }
0x183: {  	[tilespmem:s15], [sflag:$0x1] =	stream.indirect_vreg.gather [hbm4b:s9+s3], $0x80, v46, vm0, $0xb8;
	[tilespmem:$0x1F080] =	vst v63  }
0x184: {  	s22 =	simm.s32 $0x19800  }
0x185: {  	[tilespmem:s22], [sflag:$0x1] =	stream.indirect_vreg.gather [hbm4b:s9+s3], $0x80, v17, vm0, $0xb8;
	[tilespmem:$0x1F080] =	vst v63  }
0x186: {  	v17 =	vld [tilespmem:$0x13940];
	_ =	sdelay $0x4  }
0x187: {  	v18 =	vshll.u32 v17, $0x1  }
0x188: {  	v17 =	vand.u32 $0x7, v17;
	v18 =	vand.u32 $0xFFFFFFF0, v18  }
0x189: {  	v17 =	vor.u32 v17, v18  }
0x18a: {  	v18 =	vperm.xlane v17, v2;
	_ =	sdelay $0x1  }
0x18b: {  	v19 =	vperm.xlane v17, v1;
	v18 =	vadd.s32 v3, v18;
	_ =	sdelay $0x1  }
0x18c: {  	v47 =	vperm.xlane v17, v4;
	v19 =	vadd.s32 v3, v19;
	_ =	sdelay $0x1  }
0x18d: {  	s23 =	simm.s32 $0x19880;
	v48 =	vperm.xlane v17, v5;
	v20 =	vadd.s32 v3, v47  }
0x18e: {  	[tilespmem:s23], [sflag:$0x1] =	stream.indirect_vreg.gather [hbm4b:s9+s3], $0x80, v18, vm0, $0xb8;
	[tilespmem:$0x1F080] =	vst v63  }
0x18f: {  	s25 =	simm.s32 $0x19900;
	v49 =	vperm.xlane v17, v6;
	v18 =	vadd.s32 v3, v48  }
0x190: {  	[tilespmem:s25], [sflag:$0x1] =	stream.indirect_vreg.gather [hbm4b:s9+s3], $0x80, v19, vm0, $0xb8;
	[tilespmem:$0x1F080] =	vst v63  }
0x191: {  	s26 =	simm.s32 $0x19980;
	v50 =	vperm.xlane v17, v7;
	v19 =	vadd.s32 v3, v49  }
0x192: {  	[tilespmem:s26], [sflag:$0x1] =	stream.indirect_vreg.gather [hbm4b:s9+s3], $0x80, v20, vm0, $0xb8;
	[tilespmem:$0x1F080] =	vst v63  }
0x193: {  	s28 =	simm.s32 $0x19A00;
	v52 =	vperm.xlane v17, v8;
	v51 =	vadd.s32 v3, v50  }
0x194: {  	[tilespmem:s28], [sflag:$0x1] =	stream.indirect_vreg.gather [hbm4b:s9+s3], $0x80, v18, vm0, $0xb8;
	[tilespmem:$0x1F080] =	vst v63  }
0x195: {  	s29 =	simm.s32 $0x19A80;
	v53 =	vperm.xlane v17, v0;
	v18 =	vadd.s32 v3, v52  }
0x196: {  	[tilespmem:s29], [sflag:$0x1] =	stream.indirect_vreg.gather [hbm4b:s9+s3], $0x80, v19, vm0, $0xb8;
	[tilespmem:$0x1F080] =	vst v63  }
0x197: {  	s30 =	simm.s32 $0x19B00;
	v54 =	vperm.xlane v17, v9;
	v19 =	vadd.s32 v3, v53  }
0x198: {  	[tilespmem:s30], [sflag:$0x1] =	stream.indirect_vreg.gather [hbm4b:s9+s3], $0x80, v51, vm0, $0xb8;
	[tilespmem:$0x1F080] =	vst v63  }
0x199: {  	s31 =	simm.s32 $0x19B80;
	v56 =	vperm.xlane v17, v10;
	v55 =	vadd.s32 v3, v54  }
0x19a: {  	[tilespmem:s31], [sflag:$0x1] =	stream.indirect_vreg.gather [hbm4b:s9+s3], $0x80, v18, vm0, $0xb8;
	[tilespmem:$0x1F080] =	vst v63  }
0x19b: {  	s5 =	simm.s32 $0x19C00;
	v57 =	vperm.xlane v17, v11;
	v18 =	vadd.s32 v3, v56  }
0x19c: {  	[tilespmem:s5], [sflag:$0x1] =	stream.indirect_vreg.gather [hbm4b:s9+s3], $0x80, v19, vm0, $0xb8;
	[tilespmem:$0x1F080] =	vst v63  }
0x19d: {  	s10 =	simm.s32 $0x19C80;
	v58 =	vperm.xlane v17, v12;
	v19 =	vadd.s32 v3, v57  }
0x19e: {  	[tilespmem:s10], [sflag:$0x1] =	stream.indirect_vreg.gather [hbm4b:s9+s3], $0x80, v55, vm0, $0xb8;
	[tilespmem:$0x1F080] =	vst v63  }
0x19f: {  	s13 =	simm.s32 $0x19D00;
	v60 =	vperm.xlane v17, v13;
	v59 =	vadd.s32 v3, v58  }
0x1a0: {  	[tilespmem:s13], [sflag:$0x1] =	stream.indirect_vreg.gather [hbm4b:s9+s3], $0x80, v18, vm0, $0xb8;
	[tilespmem:$0x1F080] =	vst v63  }
0x1a1: {  	s15 =	simm.s32 $0x19D80;
	v61 =	vperm.xlane v17, v14;
	v18 =	vadd.s32 v3, v60  }
0x1a2: {  	[tilespmem:s15], [sflag:$0x1] =	stream.indirect_vreg.gather [hbm4b:s9+s3], $0x80, v19, vm0, $0xb8;
	[tilespmem:$0x1F080] =	vst v63  }
0x1a3: {  	s22 =	simm.s32 $0x19E00;
	v62 =	vperm.xlane v17, v15;
	v19 =	vadd.s32 v3, v61  }
0x1a4: {  	[tilespmem:s22], [sflag:$0x1] =	stream.indirect_vreg.gather [hbm4b:s9+s3], $0x80, v59, vm0, $0xb8;
	[tilespmem:$0x1F080] =	vst v63  }
0x1a5: {  	v17 =	vperm.xlane v17, v16;
	v63 =	vadd.s32 v3, v62;
	s23 =	simm.s32 $0x19E80  }
0x1a6: {  	[tilespmem:s23], [sflag:$0x1] =	stream.indirect_vreg.gather [hbm4b:s9+s3], $0x80, v18, vm0, $0xb8;
	[tilespmem:$0x1F080] =	vst v63  }
0x1a7: {  	v17 =	vadd.s32 v3, v17;
	s25 =	simm.s32 $0x19F00;
	s26 =	simm.s32 $0x19F80;
	s29 =	stileid.u32  }
0x1a8: {  	[tilespmem:s25], [sflag:$0x1] =	stream.indirect_vreg.gather [hbm4b:s9+s3], $0x80, v19, vm0, $0xb8;
	[tilespmem:$0x1F080] =	vst v63  }
0x1a9: {  	s28 =	simm.s32 $0x1A000;
	s30 =	rddreg [dreg:$0x6];
	s22 =	sshll.u32 s29, $0x6  }
0x1aa: {  	[tilespmem:s26], [sflag:$0x1] =	stream.indirect_vreg.gather [hbm4b:s9+s3], $0x80, v63, vm0, $0xb8;
	[tilespmem:$0x1F080] =	vst v63  }
0x1ab: {  	s31 =	rddreg [dreg:$0x5];
	s22 =	sor.u32 $0x1C04, s22;
	s23 =	sshrl.u32 s30, $0x3  }
0x1ac: {  	[tilespmem:s28], [sflag:$0x1] =	stream.indirect_vreg.gather [hbm4b:s9+s3], $0x80, v17, vm0, $0xb8;
	[tilespmem:$0x1F080] =	vst v63  }
0x1ad: {  	[spmem:s23], [sflag:s22] =	dma.local [hbm:s31], $0x2780  }
.Ltmp2:
0x1ae: {  	_ =	swait.ge [sflag:s2], $0x2780;
	(pc) =	sbr.rel .LBB2_2-.Ltmp2, $4  }
0x1af: {  	[sflag:s2] =	ssyncset.done $0x0  }
0x1b0: {  	[sflag:s2] =	ssyncadd.s32 $0xFFFFD880  }
0x1b1: {  	[bflag:$0x0] =	sbarrier.arrive $0xFFFF  }
0x1b2: {  	s25 =	simm.s32 $0x2;
	s26 =	simm.s32 $0x0  }
.LBB2_4:
0x1b3: {  	s0 =	smulhi.u32 $0xCCCCCCCD, s26  }
0x1b4: {  	s5 =	smulhi.u32 $0x88888889, s26;
	s10 =	sand.u32 $0x3, s28  }
0x1b5: {  	s10 =	smul.u32 $0xA000, s10;
	s0 =	sshrl.u32 s0, $0x2  }
0x1b6: {  	s25 =	sadd.s32 $0x1, s25;
	s5 =	sshrl.u32 s5, $0x3;
	s0 =	smul.u32 $0x1600, s0  }
0x1b7: {  	p0 =	sne.s32 s25, $0x7F;
	s5 =	smul.u32 $0x6000, s5  }
.Ltmp3:
0x1b8: {  	_ =	swait.ge [sflag:s17], $0x2800;
	(pc) =	sbr.rel @!p0 .LBB2_5-.Ltmp3, $4  }
0x1b9: {  	s26 =	sadd.s32 $0x1, s26;
	[sflag:s17] =	ssyncset.done $0x0;
	s0 =	ssub.s32 s0, s5  }
0x1ba: {  	[sflag:s17] =	ssyncadd.s32 $0xFFFFD800;
	s31 =	sshrl.u32 s10, $0x2;
	s0 =	sshra.s32 s0, $0x2  }
0x1bb: {  	s5 =	sadd.s32 $0x15080, s31;
	s0 =	sadd.s32 s0, s21;
	s21 =	sadd.s32 $0x80, s21  }
0x1bc: {  	[spmem:s1] =	stream.indirect.scatter.add.f32 [tilespmem:s5], [sflag:$0x2], $0x80, s0, s18, $0xb8;
	[tilespmem:$0x1F080] =	vst v63  }
.LBB2_2:
0x1bd: {  	s28 =	sadd.s32 $0xFFFFFFFE, s25  }
0x1be: {  	p0 =	slt.u32 s28, $0x2  }
0x1bf: {  	p1 =	sgt.u32 @!p0 s28, $0x7A  }
0x1c0: {  	p1 =	por p0, !p1  }
.Ltmp4:
0x1c1: {  	_ = 	snop;
	(pc) =	sbr.rel @!p1 .LBB2_4-.Ltmp4, $4  }
0x1c2: {  	s29 =	simm.s32 @!p0 $0x2  }
0x1c3: {  	_ =	swait.ge @!p0 [sflag:s29], $0x2800  }
0x1c4: {  	[sflag:s29] =	ssyncset.done @!p0 $0x0  }
0x1c5: {  	[sflag:s29] =	ssyncadd.s32 @!p0 $0xFFFFD800  }
0x1c6: {  	s29 =	sadd.s32 @!p0 $0x2, s26  }
0x1c7: {  	s29 =	smov.u32 @p0 s25  }
0x1c8: {  	s30 =	smul.u32 $0xCD, s29;
	_ =	sdelay $0x1  }
0x1c9: {  	s30 =	sshrl.u32 s30, $0xA  }
0x1ca: {  	s30 =	sand.u32 $0x3F, s30  }
0x1cb: {  	s31 =	smul.u32 $0x5, s30;
	_ =	sdelay $0x1  }
0x1cc: {  	s31 =	ssub.s32 s29, s31  }
0x1cd: {  	s31 =	sand.u32 $0xFF, s31  }
0x1ce: {  	p1 =	sne.s32 s31, $0x0  }
0x1cf: {  	p0 =	sgt.u32 @!p1 s28, $0x75  }
0x1d0: {  	p0 =	por p0, p1  }
0x1d1: {  	s0 =	sadd.s32 @!p0 $0x1, s30  }
0x1d2: {  	s13 =	smul.u32 @!p0 $0x56, s0;
	_ =	sdelay $0x1  }
0x1d3: {  	s10 =	smul.u32 $0x56, s30;
	s13 =	sshrl.u32 @!p0 s13, $0x8  }
0x1d4: {  	s13 =	smul.u32 @!p0 $0x3, s13  }
0x1d5: {  	s15 =	simm.s32 @!p1 $0x3  }
0x1d6: {  	s10 =	sshrl.u32 s10, $0x8;
	_ =	swait.ge @!p1 [sflag:s15], $0x500;
	s13 =	ssub.s32 @!p0 s0, s13  }
0x1d7: {  	[sflag:s15] =	ssyncset.done @!p1 $0x0;
	s0 =	sadd.s32 @!p0 s0, s6;
	s13 =	sand.u32 @!p0 $0xFF, s13  }
0x1d8: {  	s5 =	simm.s32 @!p0 $0x0;
	s0 =	sshll.u32 @!p0 s0, $0x8;
	s13 =	sshll.u32 @!p0 s13, $0xB  }
0x1d9: {  	[sflag:s15] =	ssyncadd.s32 @!p1 $0xFFFFFB00;
	s0 =	sadd.s32 @!p0 s4, s0;
	s15 =	sadd.s32 @!p0 $0x13880, s13  }
0x1da: {  	[tilespmem:s15], [sflag:$0x3] =	stream.linear.gather @!p0 [hbm4b:s0+s5], $0x280, $0x38;
	[tilespmem:$0x1F080] =	vst v63  }
0x1db: {  	s10 =	smul.u32 $0x3, s10;
	s13 =	sadd.s32 @!p0 $0x13C80, s13;
	s0 =	sadd.s32 @!p0 $0x80, s0  }
0x1dc: {  	[tilespmem:s13], [sflag:$0x3] =	stream.linear.gather @!p0 [hbm4b:s0+s5], $0x280, $0x38;
	[tilespmem:$0x1F080] =	vst v63  }
0x1dd: {  	s13 =	ssub.s32 s30, s10  }
0x1de: {  	s0 =	sand.u32 $0xFF, s13  }
0x1df: {  	s15 =	sshll.u32 s31, $0x7;
	s0 =	sshll.u32 s0, $0xB  }
0x1e0: {  	s30 =	sadd.s32 s15, s0  }
0x1e1: {  	v17 =	vld [tilespmem:s30+$0x13880];
	_ =	sdelay $0x4  }
0x1e2: {  	v18 =	vshll.u32 v17, $0x1  }
0x1e3: {  	v17 =	vand.u32 $0x7, v17;
	v18 =	vand.u32 $0xFFFFFFF0, v18  }
0x1e4: {  	v17 =	vor.u32 v17, v18  }
0x1e5: {  	v18 =	vperm.xlane v17, v2;
	_ =	sdelay $0x1  }
0x1e6: {  	s29 =	sand.u32 $0x3, s29;
	v19 =	vperm.xlane v17, v1;
	v18 =	vadd.s32 v3, v18  }
0x1e7: {  	s0 =	smul.u32 $0xA000, s29  }
0x1e8: {  	v20 =	vperm.xlane v17, v4;
	v19 =	vadd.s32 v3, v19  }
0x1e9: {  	s29 =	sshrl.u32 s0, $0x2  }
0x1ea: {  	s0 =	sadd.s32 $0x15080, s29;
	v21 =	vperm.xlane v17, v5;
	v20 =	vadd.s32 v3, v20  }
0x1eb: {  	[tilespmem:s0], [sflag:$0x1] =	stream.indirect_vreg.gather [hbm4b:s9+s3], $0x80, v18, vm0, $0xb8;
	[tilespmem:$0x1F080] =	vst v63  }
0x1ec: {  	s31 =	sadd.s32 $0x15100, s29;
	v61 =	vperm.xlane v17, v6;
	v18 =	vadd.s32 v3, v21  }
0x1ed: {  	[tilespmem:s31], [sflag:$0x1] =	stream.indirect_vreg.gather [hbm4b:s9+s3], $0x80, v19, vm0, $0xb8;
	[tilespmem:$0x1F080] =	vst v63  }
0x1ee: {  	s5 =	sadd.s32 $0x15180, s29;
	v62 =	vperm.xlane v17, v7;
	v19 =	vadd.s32 v3, v61  }
0x1ef: {  	[tilespmem:s5], [sflag:$0x1] =	stream.indirect_vreg.gather [hbm4b:s9+s3], $0x80, v20, vm0, $0xb8;
	[tilespmem:$0x1F080] =	vst v63  }
0x1f0: {  	s10 =	sadd.s32 $0x15200, s29;
	v24 =	vperm.xlane v17, v8;
	v63 =	vadd.s32 v3, v62  }
0x1f1: {  	[tilespmem:s10], [sflag:$0x1] =	stream.indirect_vreg.gather [hbm4b:s9+s3], $0x80, v18, vm0, $0xb8;
	[tilespmem:$0x1F080] =	vst v63  }
0x1f2: {  	s13 =	sadd.s32 $0x15280, s29;
	v25 =	vperm.xlane v17, v0;
	v18 =	vadd.s32 v3, v24  }
0x1f3: {  	[tilespmem:s13], [sflag:$0x1] =	stream.indirect_vreg.gather [hbm4b:s9+s3], $0x80, v19, vm0, $0xb8;
	[tilespmem:$0x1F080] =	vst v63  }
0x1f4: {  	s15 =	sadd.s32 $0x15300, s29;
	v26 =	vperm.xlane v17, v9;
	v19 =	vadd.s32 v3, v25  }
0x1f5: {  	[tilespmem:s15], [sflag:$0x1] =	stream.indirect_vreg.gather [hbm4b:s9+s3], $0x80, v63, vm0, $0xb8;
	[tilespmem:$0x1F080] =	vst v63  }
0x1f6: {  	v28 =	vperm.xlane v17, v10;
	v27 =	vadd.s32 v3, v26;
	s31 =	sadd.s32 $0x15380, s29  }
0x1f7: {  	[tilespmem:s31], [sflag:$0x1] =	stream.indirect_vreg.gather [hbm4b:s9+s3], $0x80, v18, vm0, $0xb8;
	[tilespmem:$0x1F080] =	vst v63  }
0x1f8: {  	v29 =	vperm.xlane v17, v11;
	s5 =	sadd.s32 $0x15400, s29;
	v18 =	vadd.s32 v3, v28  }
0x1f9: {  	[tilespmem:s5], [sflag:$0x1] =	stream.indirect_vreg.gather [hbm4b:s9+s3], $0x80, v19, vm0, $0xb8;
	[tilespmem:$0x1F080] =	vst v63  }
0x1fa: {  	v30 =	vperm.xlane v17, v12;
	s10 =	sadd.s32 $0x15480, s29;
	v19 =	vadd.s32 v3, v29  }
0x1fb: {  	[tilespmem:s10], [sflag:$0x1] =	stream.indirect_vreg.gather [hbm4b:s9+s3], $0x80, v27, vm0, $0xb8;
	[tilespmem:$0x1F080] =	vst v63  }
0x1fc: {  	v32 =	vperm.xlane v17, v13;
	v31 =	vadd.s32 v3, v30;
	s13 =	sadd.s32 $0x15500, s29  }
0x1fd: {  	[tilespmem:s13], [sflag:$0x1] =	stream.indirect_vreg.gather [hbm4b:s9+s3], $0x80, v18, vm0, $0xb8;
	[tilespmem:$0x1F080] =	vst v63  }
0x1fe: {  	v33 =	vperm.xlane v17, v14;
	s15 =	sadd.s32 $0x15580, s29;
	v18 =	vadd.s32 v3, v32  }
0x1ff: {  	[tilespmem:s15], [sflag:$0x1] =	stream.indirect_vreg.gather [hbm4b:s9+s3], $0x80, v19, vm0, $0xb8;
	[tilespmem:$0x1F080] =	vst v63  }
0x200: {  	v34 =	vperm.xlane v17, v15;
	s31 =	sadd.s32 $0x15600, s29;
	v19 =	vadd.s32 v3, v33  }
0x201: {  	[tilespmem:s31], [sflag:$0x1] =	stream.indirect_vreg.gather [hbm4b:s9+s3], $0x80, v31, vm0, $0xb8;
	[tilespmem:$0x1F080] =	vst v63  }
0x202: {  	v17 =	vperm.xlane v17, v16;
	v35 =	vadd.s32 v3, v34;
	s5 =	sadd.s32 $0x15680, s29  }
0x203: {  	[tilespmem:s5], [sflag:$0x1] =	stream.indirect_vreg.gather [hbm4b:s9+s3], $0x80, v18, vm0, $0xb8;
	[tilespmem:$0x1F080] =	vst v63  }
0x204: {  	v17 =	vadd.s32 v3, v17;
	s10 =	sadd.s32 $0x15700, s29  }
0x205: {  	[tilespmem:s10], [sflag:$0x1] =	stream.indirect_vreg.gather [hbm4b:s9+s3], $0x80, v19, vm0, $0xb8;
	[tilespmem:$0x1F080] =	vst v63  }
0x206: {  	s13 =	sadd.s32 $0x15780, s29  }
0x207: {  	[tilespmem:s13], [sflag:$0x1] =	stream.indirect_vreg.gather [hbm4b:s9+s3], $0x80, v35, vm0, $0xb8;
	[tilespmem:$0x1F080] =	vst v63  }
0x208: {  	s30 =	sadd.s32 $0x13880, s30;
	s15 =	sadd.s32 $0x15800, s29  }
0x209: {  	[tilespmem:s15], [sflag:$0x1] =	stream.indirect_vreg.gather [hbm4b:s9+s3], $0x80, v17, vm0, $0xb8;
	[tilespmem:$0x1F080] =	vst v63  }
0x20a: {  	v17 =	vld [tilespmem:s30+$0x10];
	_ =	sdelay $0x4  }
0x20b: {  	v18 =	vshll.u32 v17, $0x1  }
0x20c: {  	v17 =	vand.u32 $0x7, v17;
	v18 =	vand.u32 $0xFFFFFFF0, v18  }
0x20d: {  	v17 =	vor.u32 v17, v18  }
0x20e: {  	v18 =	vperm.xlane v17, v2;
	_ =	sdelay $0x1  }
0x20f: {  	v19 =	vperm.xlane v17, v1;
	v18 =	vadd.s32 v3, v18;
	_ =	sdelay $0x1  }
0x210: {  	v36 =	vperm.xlane v17, v4;
	v19 =	vadd.s32 v3, v19;
	_ =	sdelay $0x1  }
0x211: {  	s31 =	sadd.s32 $0x15880, s29;
	v37 =	vperm.xlane v17, v5;
	v20 =	vadd.s32 v3, v36  }
0x212: {  	[tilespmem:s31], [sflag:$0x1] =	stream.indirect_vreg.gather [hbm4b:s9+s3], $0x80, v18, vm0, $0xb8;
	[tilespmem:$0x1F080] =	vst v63  }
0x213: {  	s5 =	sadd.s32 $0x15900, s29;
	v38 =	vperm.xlane v17, v6;
	v18 =	vadd.s32 v3, v37  }
0x214: {  	[tilespmem:s5], [sflag:$0x1] =	stream.indirect_vreg.gather [hbm4b:s9+s3], $0x80, v19, vm0, $0xb8;
	[tilespmem:$0x1F080] =	vst v63  }
0x215: {  	s10 =	sadd.s32 $0x15980, s29;
	v39 =	vperm.xlane v17, v7;
	v19 =	vadd.s32 v3, v38  }
0x216: {  	[tilespmem:s10], [sflag:$0x1] =	stream.indirect_vreg.gather [hbm4b:s9+s3], $0x80, v20, vm0, $0xb8;
	[tilespmem:$0x1F080] =	vst v63  }
0x217: {  	s13 =	sadd.s32 $0x15A00, s29;
	v41 =	vperm.xlane v17, v8;
	v40 =	vadd.s32 v3, v39  }
0x218: {  	[tilespmem:s13], [sflag:$0x1] =	stream.indirect_vreg.gather [hbm4b:s9+s3], $0x80, v18, vm0, $0xb8;
	[tilespmem:$0x1F080] =	vst v63  }
0x219: {  	s15 =	sadd.s32 $0x15A80, s29;
	v42 =	vperm.xlane v17, v0;
	v18 =	vadd.s32 v3, v41  }
0x21a: {  	[tilespmem:s15], [sflag:$0x1] =	stream.indirect_vreg.gather [hbm4b:s9+s3], $0x80, v19, vm0, $0xb8;
	[tilespmem:$0x1F080] =	vst v63  }
0x21b: {  	v43 =	vperm.xlane v17, v9;
	s31 =	sadd.s32 $0x15B00, s29;
	v19 =	vadd.s32 v3, v42  }
0x21c: {  	[tilespmem:s31], [sflag:$0x1] =	stream.indirect_vreg.gather [hbm4b:s9+s3], $0x80, v40, vm0, $0xb8;
	[tilespmem:$0x1F080] =	vst v63  }
0x21d: {  	v45 =	vperm.xlane v17, v10;
	v44 =	vadd.s32 v3, v43;
	s5 =	sadd.s32 $0x15B80, s29  }
0x21e: {  	[tilespmem:s5], [sflag:$0x1] =	stream.indirect_vreg.gather [hbm4b:s9+s3], $0x80, v18, vm0, $0xb8;
	[tilespmem:$0x1F080] =	vst v63  }
0x21f: {  	v46 =	vperm.xlane v17, v11;
	s10 =	sadd.s32 $0x15C00, s29;
	v18 =	vadd.s32 v3, v45  }
0x220: {  	[tilespmem:s10], [sflag:$0x1] =	stream.indirect_vreg.gather [hbm4b:s9+s3], $0x80, v19, vm0, $0xb8;
	[tilespmem:$0x1F080] =	vst v63  }
0x221: {  	v47 =	vperm.xlane v17, v12;
	s13 =	sadd.s32 $0x15C80, s29;
	v19 =	vadd.s32 v3, v46  }
0x222: {  	[tilespmem:s13], [sflag:$0x1] =	stream.indirect_vreg.gather [hbm4b:s9+s3], $0x80, v44, vm0, $0xb8;
	[tilespmem:$0x1F080] =	vst v63  }
0x223: {  	v49 =	vperm.xlane v17, v13;
	v48 =	vadd.s32 v3, v47;
	s15 =	sadd.s32 $0x15D00, s29  }
0x224: {  	[tilespmem:s15], [sflag:$0x1] =	stream.indirect_vreg.gather [hbm4b:s9+s3], $0x80, v18, vm0, $0xb8;
	[tilespmem:$0x1F080] =	vst v63  }
0x225: {  	v50 =	vperm.xlane v17, v14;
	s31 =	sadd.s32 $0x15D80, s29;
	v18 =	vadd.s32 v3, v49  }
0x226: {  	[tilespmem:s31], [sflag:$0x1] =	stream.indirect_vreg.gather [hbm4b:s9+s3], $0x80, v19, vm0, $0xb8;
	[tilespmem:$0x1F080] =	vst v63  }
0x227: {  	v51 =	vperm.xlane v17, v15;
	s5 =	sadd.s32 $0x15E00, s29;
	v19 =	vadd.s32 v3, v50  }
0x228: {  	[tilespmem:s5], [sflag:$0x1] =	stream.indirect_vreg.gather [hbm4b:s9+s3], $0x80, v48, vm0, $0xb8;
	[tilespmem:$0x1F080] =	vst v63  }
0x229: {  	v17 =	vperm.xlane v17, v16;
	v52 =	vadd.s32 v3, v51;
	s10 =	sadd.s32 $0x15E80, s29  }
0x22a: {  	[tilespmem:s10], [sflag:$0x1] =	stream.indirect_vreg.gather [hbm4b:s9+s3], $0x80, v18, vm0, $0xb8;
	[tilespmem:$0x1F080] =	vst v63  }
0x22b: {  	v17 =	vadd.s32 v3, v17;
	s13 =	sadd.s32 $0x15F00, s29  }
0x22c: {  	[tilespmem:s13], [sflag:$0x1] =	stream.indirect_vreg.gather [hbm4b:s9+s3], $0x80, v19, vm0, $0xb8;
	[tilespmem:$0x1F080] =	vst v63  }
0x22d: {  	s15 =	sadd.s32 $0x15F80, s29  }
0x22e: {  	[tilespmem:s15], [sflag:$0x1] =	stream.indirect_vreg.gather [hbm4b:s9+s3], $0x80, v52, vm0, $0xb8;
	[tilespmem:$0x1F080] =	vst v63  }
0x22f: {  	s31 =	sadd.s32 $0x16000, s29  }
0x230: {  	[tilespmem:s31], [sflag:$0x1] =	stream.indirect_vreg.gather [hbm4b:s9+s3], $0x80, v17, vm0, $0xb8;
	[tilespmem:$0x1F080] =	vst v63  }
0x231: {  	v17 =	vld [tilespmem:s30+$0x20];
	_ =	sdelay $0x4  }
0x232: {  	v18 =	vshll.u32 v17, $0x1  }
0x233: {  	v17 =	vand.u32 $0x7, v17;
	v18 =	vand.u32 $0xFFFFFFF0, v18  }
0x234: {  	v17 =	vor.u32 v17, v18  }
0x235: {  	v18 =	vperm.xlane v17, v2;
	_ =	sdelay $0x1  }
0x236: {  	v19 =	vperm.xlane v17, v1;
	v18 =	vadd.s32 v3, v18;
	_ =	sdelay $0x1  }
0x237: {  	v53 =	vperm.xlane v17, v4;
	v19 =	vadd.s32 v3, v19;
	_ =	sdelay $0x1  }
0x238: {  	s5 =	sadd.s32 $0x16080, s29;
	v54 =	vperm.xlane v17, v5;
	v20 =	vadd.s32 v3, v53  }
0x239: {  	[tilespmem:s5], [sflag:$0x1] =	stream.indirect_vreg.gather [hbm4b:s9+s3], $0x80, v18, vm0, $0xb8;
	[tilespmem:$0x1F080] =	vst v63  }
0x23a: {  	s10 =	sadd.s32 $0x16100, s29;
	v55 =	vperm.xlane v17, v6;
	v18 =	vadd.s32 v3, v54  }
0x23b: {  	[tilespmem:s10], [sflag:$0x1] =	stream.indirect_vreg.gather [hbm4b:s9+s3], $0x80, v19, vm0, $0xb8;
	[tilespmem:$0x1F080] =	vst v63  }
0x23c: {  	s13 =	sadd.s32 $0x16180, s29;
	v56 =	vperm.xlane v17, v7;
	v19 =	vadd.s32 v3, v55  }
0x23d: {  	[tilespmem:s13], [sflag:$0x1] =	stream.indirect_vreg.gather [hbm4b:s9+s3], $0x80, v20, vm0, $0xb8;
	[tilespmem:$0x1F080] =	vst v63  }
0x23e: {  	s15 =	sadd.s32 $0x16200, s29;
	v58 =	vperm.xlane v17, v8;
	v57 =	vadd.s32 v3, v56  }
0x23f: {  	[tilespmem:s15], [sflag:$0x1] =	stream.indirect_vreg.gather [hbm4b:s9+s3], $0x80, v18, vm0, $0xb8;
	[tilespmem:$0x1F080] =	vst v63  }
0x240: {  	s31 =	sadd.s32 $0x16280, s29;
	v59 =	vperm.xlane v17, v0;
	v18 =	vadd.s32 v3, v58  }
0x241: {  	[tilespmem:s31], [sflag:$0x1] =	stream.indirect_vreg.gather [hbm4b:s9+s3], $0x80, v19, vm0, $0xb8;
	[tilespmem:$0x1F080] =	vst v63  }
0x242: {  	v60 =	vperm.xlane v17, v9;
	s5 =	sadd.s32 $0x16300, s29;
	v19 =	vadd.s32 v3, v59  }
0x243: {  	[tilespmem:s5], [sflag:$0x1] =	stream.indirect_vreg.gather [hbm4b:s9+s3], $0x80, v57, vm0, $0xb8;
	[tilespmem:$0x1F080] =	vst v63  }
0x244: {  	v62 =	vperm.xlane v17, v10;
	v61 =	vadd.s32 v3, v60;
	s10 =	sadd.s32 $0x16380, s29  }
0x245: {  	[tilespmem:s10], [sflag:$0x1] =	stream.indirect_vreg.gather [hbm4b:s9+s3], $0x80, v18, vm0, $0xb8;
	[tilespmem:$0x1F080] =	vst v63  }
0x246: {  	v63 =	vperm.xlane v17, v11;
	s13 =	sadd.s32 $0x16400, s29;
	v18 =	vadd.s32 v3, v62  }
0x247: {  	[tilespmem:s13], [sflag:$0x1] =	stream.indirect_vreg.gather [hbm4b:s9+s3], $0x80, v19, vm0, $0xb8;
	[tilespmem:$0x1F080] =	vst v63  }
0x248: {  	v24 =	vperm.xlane v17, v12;
	s15 =	sadd.s32 $0x16480, s29;
	v19 =	vadd.s32 v3, v63  }
0x249: {  	[tilespmem:s15], [sflag:$0x1] =	stream.indirect_vreg.gather [hbm4b:s9+s3], $0x80, v61, vm0, $0xb8;
	[tilespmem:$0x1F080] =	vst v63  }
0x24a: {  	v26 =	vperm.xlane v17, v13;
	v25 =	vadd.s32 v3, v24;
	s31 =	sadd.s32 $0x16500, s29  }
0x24b: {  	[tilespmem:s31], [sflag:$0x1] =	stream.indirect_vreg.gather [hbm4b:s9+s3], $0x80, v18, vm0, $0xb8;
	[tilespmem:$0x1F080] =	vst v63  }
0x24c: {  	v27 =	vperm.xlane v17, v14;
	s5 =	sadd.s32 $0x16580, s29;
	v18 =	vadd.s32 v3, v26  }
0x24d: {  	[tilespmem:s5], [sflag:$0x1] =	stream.indirect_vreg.gather [hbm4b:s9+s3], $0x80, v19, vm0, $0xb8;
	[tilespmem:$0x1F080] =	vst v63  }
0x24e: {  	v28 =	vperm.xlane v17, v15;
	s10 =	sadd.s32 $0x16600, s29;
	v19 =	vadd.s32 v3, v27  }
0x24f: {  	[tilespmem:s10], [sflag:$0x1] =	stream.indirect_vreg.gather [hbm4b:s9+s3], $0x80, v25, vm0, $0xb8;
	[tilespmem:$0x1F080] =	vst v63  }
0x250: {  	v17 =	vperm.xlane v17, v16;
	v29 =	vadd.s32 v3, v28;
	s13 =	sadd.s32 $0x16680, s29  }
0x251: {  	[tilespmem:s13], [sflag:$0x1] =	stream.indirect_vreg.gather [hbm4b:s9+s3], $0x80, v18, vm0, $0xb8;
	[tilespmem:$0x1F080] =	vst v63  }
0x252: {  	v17 =	vadd.s32 v3, v17;
	s15 =	sadd.s32 $0x16700, s29  }
0x253: {  	[tilespmem:s15], [sflag:$0x1] =	stream.indirect_vreg.gather [hbm4b:s9+s3], $0x80, v19, vm0, $0xb8;
	[tilespmem:$0x1F080] =	vst v63  }
0x254: {  	s31 =	sadd.s32 $0x16780, s29  }
0x255: {  	[tilespmem:s31], [sflag:$0x1] =	stream.indirect_vreg.gather [hbm4b:s9+s3], $0x80, v29, vm0, $0xb8;
	[tilespmem:$0x1F080] =	vst v63  }
0x256: {  	s5 =	sadd.s32 $0x16800, s29  }
0x257: {  	[tilespmem:s5], [sflag:$0x1] =	stream.indirect_vreg.gather [hbm4b:s9+s3], $0x80, v17, vm0, $0xb8;
	[tilespmem:$0x1F080] =	vst v63  }
0x258: {  	v17 =	vld [tilespmem:s30+$0x30];
	_ =	sdelay $0x4  }
0x259: {  	v18 =	vshll.u32 v17, $0x1  }
0x25a: {  	v17 =	vand.u32 $0x7, v17;
	v18 =	vand.u32 $0xFFFFFFF0, v18  }
0x25b: {  	v17 =	vor.u32 v17, v18  }
0x25c: {  	v18 =	vperm.xlane v17, v2;
	_ =	sdelay $0x1  }
0x25d: {  	v19 =	vperm.xlane v17, v1;
	v18 =	vadd.s32 v3, v18;
	_ =	sdelay $0x1  }
0x25e: {  	v30 =	vperm.xlane v17, v4;
	v19 =	vadd.s32 v3, v19;
	_ =	sdelay $0x1  }
0x25f: {  	s10 =	sadd.s32 $0x16880, s29;
	v31 =	vperm.xlane v17, v5;
	v20 =	vadd.s32 v3, v30  }
0x260: {  	[tilespmem:s10], [sflag:$0x1] =	stream.indirect_vreg.gather [hbm4b:s9+s3], $0x80, v18, vm0, $0xb8;
	[tilespmem:$0x1F080] =	vst v63  }
0x261: {  	s13 =	sadd.s32 $0x16900, s29;
	v32 =	vperm.xlane v17, v6;
	v18 =	vadd.s32 v3, v31  }
0x262: {  	[tilespmem:s13], [sflag:$0x1] =	stream.indirect_vreg.gather [hbm4b:s9+s3], $0x80, v19, vm0, $0xb8;
	[tilespmem:$0x1F080] =	vst v63  }
0x263: {  	s15 =	sadd.s32 $0x16980, s29;
	v33 =	vperm.xlane v17, v7;
	v19 =	vadd.s32 v3, v32  }
0x264: {  	[tilespmem:s15], [sflag:$0x1] =	stream.indirect_vreg.gather [hbm4b:s9+s3], $0x80, v20, vm0, $0xb8;
	[tilespmem:$0x1F080] =	vst v63  }
0x265: {  	s31 =	sadd.s32 $0x16A00, s29;
	v35 =	vperm.xlane v17, v8;
	v34 =	vadd.s32 v3, v33  }
0x266: {  	[tilespmem:s31], [sflag:$0x1] =	stream.indirect_vreg.gather [hbm4b:s9+s3], $0x80, v18, vm0, $0xb8;
	[tilespmem:$0x1F080] =	vst v63  }
0x267: {  	s5 =	sadd.s32 $0x16A80, s29;
	v36 =	vperm.xlane v17, v0;
	v18 =	vadd.s32 v3, v35  }
0x268: {  	[tilespmem:s5], [sflag:$0x1] =	stream.indirect_vreg.gather [hbm4b:s9+s3], $0x80, v19, vm0, $0xb8;
	[tilespmem:$0x1F080] =	vst v63  }
0x269: {  	v37 =	vperm.xlane v17, v9;
	s10 =	sadd.s32 $0x16B00, s29;
	v19 =	vadd.s32 v3, v36  }
0x26a: {  	[tilespmem:s10], [sflag:$0x1] =	stream.indirect_vreg.gather [hbm4b:s9+s3], $0x80, v34, vm0, $0xb8;
	[tilespmem:$0x1F080] =	vst v63  }
0x26b: {  	v39 =	vperm.xlane v17, v10;
	v38 =	vadd.s32 v3, v37;
	s13 =	sadd.s32 $0x16B80, s29  }
0x26c: {  	[tilespmem:s13], [sflag:$0x1] =	stream.indirect_vreg.gather [hbm4b:s9+s3], $0x80, v18, vm0, $0xb8;
	[tilespmem:$0x1F080] =	vst v63  }
0x26d: {  	v40 =	vperm.xlane v17, v11;
	s15 =	sadd.s32 $0x16C00, s29;
	v18 =	vadd.s32 v3, v39  }
0x26e: {  	[tilespmem:s15], [sflag:$0x1] =	stream.indirect_vreg.gather [hbm4b:s9+s3], $0x80, v19, vm0, $0xb8;
	[tilespmem:$0x1F080] =	vst v63  }
0x26f: {  	v41 =	vperm.xlane v17, v12;
	s31 =	sadd.s32 $0x16C80, s29;
	v19 =	vadd.s32 v3, v40  }
0x270: {  	[tilespmem:s31], [sflag:$0x1] =	stream.indirect_vreg.gather [hbm4b:s9+s3], $0x80, v38, vm0, $0xb8;
	[tilespmem:$0x1F080] =	vst v63  }
0x271: {  	v43 =	vperm.xlane v17, v13;
	v42 =	vadd.s32 v3, v41;
	s5 =	sadd.s32 $0x16D00, s29  }
0x272: {  	[tilespmem:s5], [sflag:$0x1] =	stream.indirect_vreg.gather [hbm4b:s9+s3], $0x80, v18, vm0, $0xb8;
	[tilespmem:$0x1F080] =	vst v63  }
0x273: {  	v44 =	vperm.xlane v17, v14;
	s10 =	sadd.s32 $0x16D80, s29;
	v18 =	vadd.s32 v3, v43  }
0x274: {  	[tilespmem:s10], [sflag:$0x1] =	stream.indirect_vreg.gather [hbm4b:s9+s3], $0x80, v19, vm0, $0xb8;
	[tilespmem:$0x1F080] =	vst v63  }
0x275: {  	v45 =	vperm.xlane v17, v15;
	s13 =	sadd.s32 $0x16E00, s29;
	v19 =	vadd.s32 v3, v44  }
0x276: {  	[tilespmem:s13], [sflag:$0x1] =	stream.indirect_vreg.gather [hbm4b:s9+s3], $0x80, v42, vm0, $0xb8;
	[tilespmem:$0x1F080] =	vst v63  }
0x277: {  	v17 =	vperm.xlane v17, v16;
	v46 =	vadd.s32 v3, v45;
	s15 =	sadd.s32 $0x16E80, s29  }
0x278: {  	[tilespmem:s15], [sflag:$0x1] =	stream.indirect_vreg.gather [hbm4b:s9+s3], $0x80, v18, vm0, $0xb8;
	[tilespmem:$0x1F080] =	vst v63  }
0x279: {  	v17 =	vadd.s32 v3, v17;
	s31 =	sadd.s32 $0x16F00, s29  }
0x27a: {  	[tilespmem:s31], [sflag:$0x1] =	stream.indirect_vreg.gather [hbm4b:s9+s3], $0x80, v19, vm0, $0xb8;
	[tilespmem:$0x1F080] =	vst v63  }
0x27b: {  	s5 =	sadd.s32 $0x16F80, s29  }
0x27c: {  	[tilespmem:s5], [sflag:$0x1] =	stream.indirect_vreg.gather [hbm4b:s9+s3], $0x80, v46, vm0, $0xb8;
	[tilespmem:$0x1F080] =	vst v63  }
0x27d: {  	s10 =	sadd.s32 $0x17000, s29  }
0x27e: {  	[tilespmem:s10], [sflag:$0x1] =	stream.indirect_vreg.gather [hbm4b:s9+s3], $0x80, v17, vm0, $0xb8;
	[tilespmem:$0x1F080] =	vst v63  }
0x27f: {  	v17 =	vld [tilespmem:s30+$0x40];
	_ =	sdelay $0x4  }
0x280: {  	v18 =	vshll.u32 v17, $0x1  }
0x281: {  	v17 =	vand.u32 $0x7, v17;
	v18 =	vand.u32 $0xFFFFFFF0, v18  }
0x282: {  	v17 =	vor.u32 v17, v18  }
0x283: {  	v18 =	vperm.xlane v17, v2;
	_ =	sdelay $0x1  }
0x284: {  	v19 =	vperm.xlane v17, v1;
	v18 =	vadd.s32 v3, v18;
	_ =	sdelay $0x1  }
0x285: {  	v47 =	vperm.xlane v17, v4;
	v19 =	vadd.s32 v3, v19;
	_ =	sdelay $0x1  }
0x286: {  	s13 =	sadd.s32 $0x17080, s29;
	v48 =	vperm.xlane v17, v5;
	v20 =	vadd.s32 v3, v47  }
0x287: {  	[tilespmem:s13], [sflag:$0x1] =	stream.indirect_vreg.gather [hbm4b:s9+s3], $0x80, v18, vm0, $0xb8;
	[tilespmem:$0x1F080] =	vst v63  }
0x288: {  	s15 =	sadd.s32 $0x17100, s29;
	v49 =	vperm.xlane v17, v6;
	v18 =	vadd.s32 v3, v48  }
0x289: {  	[tilespmem:s15], [sflag:$0x1] =	stream.indirect_vreg.gather [hbm4b:s9+s3], $0x80, v19, vm0, $0xb8;
	[tilespmem:$0x1F080] =	vst v63  }
0x28a: {  	s30 =	sadd.s32 $0x17180, s29;
	v50 =	vperm.xlane v17, v7;
	v19 =	vadd.s32 v3, v49  }
0x28b: {  	[tilespmem:s30], [sflag:$0x1] =	stream.indirect_vreg.gather [hbm4b:s9+s3], $0x80, v20, vm0, $0xb8;
	[tilespmem:$0x1F080] =	vst v63  }
0x28c: {  	s31 =	sadd.s32 $0x17200, s29;
	v52 =	vperm.xlane v17, v8;
	v51 =	vadd.s32 v3, v50  }
0x28d: {  	[tilespmem:s31], [sflag:$0x1] =	stream.indirect_vreg.gather [hbm4b:s9+s3], $0x80, v18, vm0, $0xb8;
	[tilespmem:$0x1F080] =	vst v63  }
0x28e: {  	s5 =	sadd.s32 $0x17280, s29;
	v53 =	vperm.xlane v17, v0;
	v18 =	vadd.s32 v3, v52  }
0x28f: {  	[tilespmem:s5], [sflag:$0x1] =	stream.indirect_vreg.gather [hbm4b:s9+s3], $0x80, v19, vm0, $0xb8;
	[tilespmem:$0x1F080] =	vst v63  }
0x290: {  	s10 =	sadd.s32 $0x17300, s29;
	v54 =	vperm.xlane v17, v9;
	v19 =	vadd.s32 v3, v53  }
0x291: {  	[tilespmem:s10], [sflag:$0x1] =	stream.indirect_vreg.gather [hbm4b:s9+s3], $0x80, v51, vm0, $0xb8;
	[tilespmem:$0x1F080] =	vst v63  }
0x292: {  	v56 =	vperm.xlane v17, v10;
	v55 =	vadd.s32 v3, v54;
	s13 =	sadd.s32 $0x17380, s29  }
0x293: {  	[tilespmem:s13], [sflag:$0x1] =	stream.indirect_vreg.gather [hbm4b:s9+s3], $0x80, v18, vm0, $0xb8;
	[tilespmem:$0x1F080] =	vst v63  }
0x294: {  	v57 =	vperm.xlane v17, v11;
	s15 =	sadd.s32 $0x17400, s29;
	v18 =	vadd.s32 v3, v56  }
0x295: {  	[tilespmem:s15], [sflag:$0x1] =	stream.indirect_vreg.gather [hbm4b:s9+s3], $0x80, v19, vm0, $0xb8;
	[tilespmem:$0x1F080] =	vst v63  }
0x296: {  	v58 =	vperm.xlane v17, v12;
	s30 =	sadd.s32 $0x17480, s29;
	v19 =	vadd.s32 v3, v57  }
0x297: {  	[tilespmem:s30], [sflag:$0x1] =	stream.indirect_vreg.gather [hbm4b:s9+s3], $0x80, v55, vm0, $0xb8;
	[tilespmem:$0x1F080] =	vst v63  }
0x298: {  	v60 =	vperm.xlane v17, v13;
	v59 =	vadd.s32 v3, v58;
	s31 =	sadd.s32 $0x17500, s29  }
0x299: {  	[tilespmem:s31], [sflag:$0x1] =	stream.indirect_vreg.gather [hbm4b:s9+s3], $0x80, v18, vm0, $0xb8;
	[tilespmem:$0x1F080] =	vst v63  }
0x29a: {  	v61 =	vperm.xlane v17, v14;
	s5 =	sadd.s32 $0x17580, s29;
	v18 =	vadd.s32 v3, v60  }
0x29b: {  	[tilespmem:s5], [sflag:$0x1] =	stream.indirect_vreg.gather [hbm4b:s9+s3], $0x80, v19, vm0, $0xb8;
	[tilespmem:$0x1F080] =	vst v63  }
0x29c: {  	s10 =	sadd.s32 $0x17600, s29;
	v19 =	vadd.s32 v3, v61  }
0x29d: {  	v62 =	vperm.xlane v17, v15;
	[tilespmem:s10], [sflag:$0x1] =	stream.indirect_vreg.gather [hbm4b:s9+s3], $0x80, v59, vm0, $0xb8;
	[tilespmem:$0x1F080] =	vst v63  }
0x29e: {  	s13 =	sadd.s32 $0x17680, s29  }
0x29f: {  	v17 =	vperm.xlane v17, v16;
	v63 =	vadd.s32 v3, v62;
	[tilespmem:s13], [sflag:$0x1] =	stream.indirect_vreg.gather [hbm4b:s9+s3], $0x80, v18, vm0, $0xb8;
	[tilespmem:$0x1F080] =	vst v63  }
0x2a0: {  	s15 =	sadd.s32 $0x17700, s29  }
0x2a1: {  	v17 =	vadd.s32 v3, v17;
	[tilespmem:s15], [sflag:$0x1] =	stream.indirect_vreg.gather [hbm4b:s9+s3], $0x80, v19, vm0, $0xb8;
	[tilespmem:$0x1F080] =	vst v63  }
.Ltmp5:
0x2a2: {  	_ = 	snop;
	(pc) =	sbr.rel .LBB2_4-.Ltmp5, $4  }
0x2a3: {  	s30 =	sadd.s32 $0x17780, s29  }
0x2a4: {  	[tilespmem:s30], [sflag:$0x1] =	stream.indirect_vreg.gather [hbm4b:s9+s3], $0x80, v63, vm0, $0xb8;
	[tilespmem:$0x1F080] =	vst v63  }
0x2a5: {  	s31 =	sadd.s32 $0x17800, s29  }
0x2a6: {  	[tilespmem:s31], [sflag:$0x1] =	stream.indirect_vreg.gather [hbm4b:s9+s3], $0x80, v17, vm0, $0xb8;
	[tilespmem:$0x1F080] =	vst v63  }
.LBB2_6:
0x2a7: {  	_ =	sfence.sel $0x180000  }
0x2a8: {  	[bflag:$0x0] =	sbarrier.arrive $0xFFFF  }
0x2a9: {  	_ =	strace $0x90000047  }
0x2aa: {  	s0 =	stileid.u32;
	[bflag:$0x2] =	sbarrier.arrive $0xFFFF  }
0x2ab: {  	p0 =	sne.s32 s0, $0x0;
	s0 =	rddreg [dreg:$0x4]  }
0x2ac: {  	s0 =	sadd.s32 @!p0 $0x100000, s0  }
0x2ad: {  	[sflag:s0] =	ssyncadd.tile.s32 @!p0 $0x1;
	_ =	shalt  }
.Lfunc_end2:
_tile_overlayer_lowered:
.L_overlay_start_2:
0x2ae: {  	(tag) =	ssettag $0x2  }
0x2af: {  	s0 =	rddreg [dreg:$0x0];
	s2 =	stileid.u32  }
0x2b0: {  	s1 =	rddreg [dreg:$0x1];
	p0 =	sne.s32 s2, $0x0  }
0x2b1: {  	s3 =	rddreg [dreg:$0x2];
	[bflag:$0x3] =	sbarrier.arrive $0xFFFF;
	s2 =	simm.s32 @!p0 $0x1C04  }
0x2b2: {  	[timem:s3], [sflag:s2] =	dma.local @!p0 [hbm:s0], s1  }
0x2b3: {  	s0 =	simm.s32 @!p0 $0x4  }
0x2b4: {  	_ =	swait.ge @!p0 [sflag:s0], s1  }
0x2b5: {  	s1 =	ssub.s32 @!p0 $0x0, s1;
	[sflag:s0] =	ssyncset.done @!p0 $0x0  }
0x2b6: {  	[sflag:s0] =	ssyncadd.s32 @!p0 s1  }
0x2b7: {  	[bflag:$0x3] =	sbarrier.arrive $0xFFFF  }
0x2b8: {  	_ =	shalt  }

</sc_bundles>
